<compile_context>
chip_gen: v7x
topology: tpu7x:2x2x1
jax: 0.10.2.dev20260603
libtpu: 0.0.44.dev20260713+nightly
codegen_flags: <defaults>
</compile_context>

<pallas_src>
import functools

import jax
import jax.numpy as jnp
from jax import lax
from jax.experimental import pallas as pl
from jax.experimental.pallas import tpu as pltpu
from jax.experimental.pallas import tpu_sc as plsc

VOCAB = 150528
HIDDEN = 12288
TOKENS = 8192

NC, NS = 2, 16
NW = NC * NS
ROWS_PER_W = TOKENS // NW
NG = ROWS_PER_W // 16

_mesh = plsc.VectorSubcoreMesh(
    core_axis_name="c", subcore_axis_name="s", num_cores=NC, num_subcores=NS
)


@functools.partial(
    pl.kernel,
    mesh=_mesh,
    out_type=jax.ShapeDtypeStruct((TOKENS, HIDDEN), jnp.float32),
    scratch_types=[
        pltpu.VMEM((NG, 16), jnp.int32),
        pltpu.VMEM_SHARED((NS, 2, 4, HIDDEN), jnp.float32),
        [pltpu.SemaphoreType.DMA for _ in range(2)],
        [pltpu.SemaphoreType.DMA for _ in range(2)],
    ],
)
def _sc_gather(idx_hbm, table_hbm, out_hbm, idx_v, spbuf, gsem, wsem):
    cid = lax.axis_index("c")
    sid = lax.axis_index("s")
    wid = sid * NC + cid
    base = wid * ROWS_PER_W
    pltpu.sync_copy(idx_hbm.at[wid], idx_v)

    def gather_start(row, b, j):
        pltpu.make_async_copy(
            table_hbm.at[row], spbuf.at[sid, b, j], gsem[b]
        ).start()

    def gather_wait_set(b):
        pltpu.make_async_copy(
            table_hbm.at[pl.ds(0, 4)], spbuf.at[sid, b], gsem[b]
        ).wait()

    def write_desc(r0, b):
        return pltpu.make_async_copy(
            spbuf.at[sid, b], out_hbm.at[pl.ds(base + r0, 4)], wsem[b]
        )

    def chunk_gather(v, lane_cl, cl):
        b = cl % 2
        for j in range(4):
            gather_start(v[4 * lane_cl + j], b, j)

    v0 = idx_v.at[0][...]
    chunk_gather(v0, 0, 0)
    chunk_gather(v0, 1, 1)

    def body(g, carry):
        v = idx_v.at[g][...]
        vn = idx_v.at[g + 1][...]
        for pair in range(2):
            for b in range(2):
                cl = 2 * pair + b
                r0 = 16 * g + 4 * cl
                gather_wait_set(b)
                write_desc(r0, b).start()
            for b in range(2):
                cl = 2 * pair + b
                r0 = 16 * g + 4 * cl
                write_desc(r0, b).wait()
                if cl < 2:
                    chunk_gather(v, cl + 2, cl + 2)
                else:
                    chunk_gather(vn, cl - 2, cl - 2)
        return carry

    lax.fori_loop(0, NG - 1, body, 0)

    g = NG - 1
    vlast = idx_v.at[g][...]
    for pair in range(2):
        for b in range(2):
            cl = 2 * pair + b
            r0 = 16 * g + 4 * cl
            gather_wait_set(b)
            write_desc(r0, b).start()
        for b in range(2):
            cl = 2 * pair + b
            r0 = 16 * g + 4 * cl
            write_desc(r0, b).wait()
            if pair == 0:
                chunk_gather(vlast, cl + 2, cl + 2)


def kernel(input_ids, word_embeddings):
    b, s = input_ids.shape
    idx = input_ids.reshape(NW, NG, 16)
    out = _sc_gather(idx, word_embeddings)
    return out.reshape(b, s, HIDDEN)

# --- scband reference (transcript-rebuilt; emitter-appended) ---
"""Pipeline reference for scband-gptembeddings-38671885534043 (READ-ONLY COPY).

The authoritative reference and input builder live on the scoring server;
editing this copy changes nothing except your own understanding.
"""

import jax, jax.numpy as jnp
import numpy as np

VOCAB = 150528
HIDDEN = 12288
BATCH = 4
SEQ = 2048


def setup_inputs(seed: int = 0) -> dict:
    key = jax.random.key(seed)
    k1, k2 = jax.random.split(key)
    input_ids = jax.random.randint(k1, (BATCH, SEQ), 0, VOCAB, dtype=jnp.int32)
    word_embeddings = (jax.random.normal(k2, (VOCAB, HIDDEN), dtype=jnp.float32) * 0.02)
    return {"input_ids": input_ids, "word_embeddings": word_embeddings}


def reference(input_ids, word_embeddings):
    # GPTEmbeddings.forward: hidden_states = self.word_embeddings(input_ids)
    hidden_states = jnp.take(word_embeddings, input_ids, axis=0)
    return hidden_states

if __name__ == "__main__":
    import jax
    _d = setup_inputs()
    print(jax.jit(kernel)(*tuple(_d.values())))

</pallas_src>

<mosaic_0001>
#map = affine_map<(d0, d1) -> (0, 0, 0)>
#map1 = affine_map<(d0, d1) -> (0, 0)>
module attributes {stable_mosaic.version = 14 : i64} {
  func.func @_sc_gather(%arg0: i32, %arg1: i32, %arg2: memref<32x16x16xi32, #tpu.memory_space<hbm>>, %arg3: memref<150528x12288xf32, #tpu.memory_space<hbm>>, %arg4: memref<8192x12288xf32, #tpu.memory_space<hbm>>, %arg5: memref<16x16xi32, #tpu.memory_space<vmem>>, %arg6: memref<16x2x4x12288xf32, #tpu.memory_space<vmem_shared>>, %arg7: memref<!tpu.dma_semaphore, #tpu.memory_space<semaphore_mem>>, %arg8: memref<!tpu.dma_semaphore, #tpu.memory_space<semaphore_mem>>, %arg9: memref<!tpu.dma_semaphore, #tpu.memory_space<semaphore_mem>>, %arg10: memref<!tpu.dma_semaphore, #tpu.memory_space<semaphore_mem>>) attributes {dimension_semantics = [#tpu.dimension_semantics<core_parallel>, #tpu.dimension_semantics<subcore_parallel>], iteration_bounds = array<i64: 2, 16>, scalar_prefetch = 0 : i64, scratch_operands = 6 : i64, tpu.core_type = #tpu.core_type<sc_vector_subcore>, window_params = [{transform_indices = #map}, {transform_indices = #map1}, {transform_indices = #map1}]} {
    %mul3A = arith.constant 2 : i32
    %mul3A_0 = arith.muli %arg1, %mul3A : i32
    %add3A = arith.addi %mul3A_0, %arg0 : i32
    %mul3A_1 = arith.constant 256 : i32
    %mul3A_2 = arith.muli %add3A, %mul3A_1 : i32
    "tpu.region"() ({
      %run_scoped3A = tpu.sem_alloc : memref<!tpu.dma_semaphore, #tpu.memory_space<semaphore_mem>>
      %dma_start3A_277 = arith.constant 0 : i32
      %dma_start3A_278 = arith.constant 0 : i32
      %dma_start3A_279 = tpu.memref_slice %arg2[%add3A, %dma_start3A_277, %dma_start3A_278] : memref<32x16x16xi32, #tpu.memory_space<hbm>> -> memref<1x16x16xi32, #tpu.memory_space<hbm>>
      %dma_start3A_280 = tpu.memref_squeeze %dma_start3A_279 : memref<1x16x16xi32, #tpu.memory_space<hbm>> -> memref<16x16xi32, #tpu.memory_space<hbm>>
      %dma_start3A_281 = arith.constant 0 : i32
      %dma_start3A_282 = arith.constant 0 : i32
      %dma_start3A_283 = tpu.memref_slice %arg2[%add3A, %dma_start3A_281, %dma_start3A_282] : memref<32x16x16xi32, #tpu.memory_space<hbm>> -> memref<1x16x16xi32, #tpu.memory_space<hbm>>
      %dma_start3A_284 = tpu.memref_squeeze %dma_start3A_283 : memref<1x16x16xi32, #tpu.memory_space<hbm>> -> memref<16x16xi32, #tpu.memory_space<hbm>>
      tpu.enqueue_dma source(%dma_start3A_284 : memref<16x16xi32, #tpu.memory_space<hbm>>) target(%arg5 : memref<16x16xi32, #tpu.memory_space<vmem>>) target_semaphore(%run_scoped3A : memref<!tpu.dma_semaphore, #tpu.memory_space<semaphore_mem>>)
      %dma_wait3A_285 = arith.constant 0 : i32
      %dma_wait3A_286 = arith.constant 0 : i32
      %dma_wait3A_287 = tpu.memref_slice %arg2[%add3A, %dma_wait3A_285, %dma_wait3A_286] : memref<32x16x16xi32, #tpu.memory_space<hbm>> -> memref<1x16x16xi32, #tpu.memory_space<hbm>>
      %dma_wait3A_288 = tpu.memref_squeeze %dma_wait3A_287 : memref<1x16x16xi32, #tpu.memory_space<hbm>> -> memref<16x16xi32, #tpu.memory_space<hbm>>
      %dma_wait3A_289 = arith.constant 0 : i32
      %dma_wait3A_290 = arith.constant 0 : i32
      %dma_wait3A_291 = tpu.memref_slice %arg2[%add3A, %dma_wait3A_289, %dma_wait3A_290] : memref<32x16x16xi32, #tpu.memory_space<hbm>> -> memref<1x16x16xi32, #tpu.memory_space<hbm>>
      %dma_wait3A_292 = tpu.memref_squeeze %dma_wait3A_291 : memref<1x16x16xi32, #tpu.memory_space<hbm>> -> memref<16x16xi32, #tpu.memory_space<hbm>>
      tpu.wait_dma2 semaphore(%run_scoped3A : memref<!tpu.dma_semaphore, #tpu.memory_space<semaphore_mem>>) src(%dma_wait3A_292 : memref<16x16xi32, #tpu.memory_space<hbm>>) dst(%arg5 : memref<16x16xi32, #tpu.memory_space<vmem>>)
      tpu.yield
    }) : () -> ()
    %get3A = arith.constant 0 : i32
    %get3A_3 = arith.index_cast %get3A : i32 to index
    %get3A_4 = arith.constant 0 : index
    %get3A_5 = tpu.vector_load %arg5[%get3A_3, %get3A_4] {strides = array<i32>} : memref<16x16xi32, #tpu.memory_space<vmem>>, vector<1x16xi32>,
    %get3A_6 = vector.shape_cast %get3A_5 : vector<1x16xi32> to vector<16xi32>
    %slice3A = vector.extract_strided_slice %get3A_6 {offsets = [0], sizes = [1], strides = [1]} : vector<16xi32> to vector<1xi32>
    %squeeze3A = vector.extract %slice3A[0] : i32 from vector<1xi32>
    %dma_start3A = arith.constant 0 : i32
    %dma_start3A_7 = arith.constant 0 : i32
    %dma_start3A_8 = arith.constant 0 : i32
    %dma_start3A_9 = tpu.memref_slice %arg6[%arg1, %dma_start3A, %dma_start3A_7, %dma_start3A_8] : memref<16x2x4x12288xf32, #tpu.memory_space<vmem_shared>> -> memref<1x1x1x12288xf32, #tpu.memory_space<vmem_shared>>
    %dma_start3A_10 = tpu.memref_squeeze %dma_start3A_9 : memref<1x1x1x12288xf32, #tpu.memory_space<vmem_shared>> -> memref<12288xf32, #tpu.memory_space<vmem_shared>>
    %dma_start3A_11 = arith.constant 0 : i32
    %dma_start3A_12 = tpu.memref_slice %arg3[%squeeze3A, %dma_start3A_11] : memref<150528x12288xf32, #tpu.memory_space<hbm>> -> memref<1x12288xf32, #tpu.memory_space<hbm>>
    %dma_start3A_13 = tpu.memref_squeeze %dma_start3A_12 : memref<1x12288xf32, #tpu.memory_space<hbm>> -> memref<12288xf32, #tpu.memory_space<hbm>>
    tpu.enqueue_dma source(%dma_start3A_13 : memref<12288xf32, #tpu.memory_space<hbm>>) target(%dma_start3A_10 : memref<12288xf32, #tpu.memory_space<vmem_shared>>) target_semaphore(%arg7 : memref<!tpu.dma_semaphore, #tpu.memory_space<semaphore_mem>>)
    %slice3A_14 = vector.extract_strided_slice %get3A_6 {offsets = [1], sizes = [1], strides = [1]} : vector<16xi32> to vector<1xi32>
    %squeeze3A_15 = vector.extract %slice3A_14[0] : i32 from vector<1xi32>
    %dma_start3A_16 = arith.constant 0 : i32
    %dma_start3A_17 = arith.constant 1 : i32
    %dma_start3A_18 = arith.constant 0 : i32
    %dma_start3A_19 = tpu.memref_slice %arg6[%arg1, %dma_start3A_16, %dma_start3A_17, %dma_start3A_18] : memref<16x2x4x12288xf32, #tpu.memory_space<vmem_shared>> -> memref<1x1x1x12288xf32, #tpu.memory_space<vmem_shared>>
    %dma_start3A_20 = tpu.memref_squeeze %dma_start3A_19 : memref<1x1x1x12288xf32, #tpu.memory_space<vmem_shared>> -> memref<12288xf32, #tpu.memory_space<vmem_shared>>
    %dma_start3A_21 = arith.constant 0 : i32
    %dma_start3A_22 = tpu.memref_slice %arg3[%squeeze3A_15, %dma_start3A_21] : memref<150528x12288xf32, #tpu.memory_space<hbm>> -> memref<1x12288xf32, #tpu.memory_space<hbm>>
    %dma_start3A_23 = tpu.memref_squeeze %dma_start3A_22 : memref<1x12288xf32, #tpu.memory_space<hbm>> -> memref<12288xf32, #tpu.memory_space<hbm>>
    tpu.enqueue_dma source(%dma_start3A_23 : memref<12288xf32, #tpu.memory_space<hbm>>) target(%dma_start3A_20 : memref<12288xf32, #tpu.memory_space<vmem_shared>>) target_semaphore(%arg7 : memref<!tpu.dma_semaphore, #tpu.memory_space<semaphore_mem>>)
    %slice3A_24 = vector.extract_strided_slice %get3A_6 {offsets = [2], sizes = [1], strides = [1]} : vector<16xi32> to vector<1xi32>
    %squeeze3A_25 = vector.extract %slice3A_24[0] : i32 from vector<1xi32>
    %dma_start3A_26 = arith.constant 0 : i32
    %dma_start3A_27 = arith.constant 2 : i32
    %dma_start3A_28 = arith.constant 0 : i32
    %dma_start3A_29 = tpu.memref_slice %arg6[%arg1, %dma_start3A_26, %dma_start3A_27, %dma_start3A_28] : memref<16x2x4x12288xf32, #tpu.memory_space<vmem_shared>> -> memref<1x1x1x12288xf32, #tpu.memory_space<vmem_shared>>
    %dma_start3A_30 = tpu.memref_squeeze %dma_start3A_29 : memref<1x1x1x12288xf32, #tpu.memory_space<vmem_shared>> -> memref<12288xf32, #tpu.memory_space<vmem_shared>>
    %dma_start3A_31 = arith.constant 0 : i32
    %dma_start3A_32 = tpu.memref_slice %arg3[%squeeze3A_25, %dma_start3A_31] : memref<150528x12288xf32, #tpu.memory_space<hbm>> -> memref<1x12288xf32, #tpu.memory_space<hbm>>
    %dma_start3A_33 = tpu.memref_squeeze %dma_start3A_32 : memref<1x12288xf32, #tpu.memory_space<hbm>> -> memref<12288xf32, #tpu.memory_space<hbm>>
    tpu.enqueue_dma source(%dma_start3A_33 : memref<12288xf32, #tpu.memory_space<hbm>>) target(%dma_start3A_30 : memref<12288xf32, #tpu.memory_space<vmem_shared>>) target_semaphore(%arg7 : memref<!tpu.dma_semaphore, #tpu.memory_space<semaphore_mem>>)
    %slice3A_34 = vector.extract_strided_slice %get3A_6 {offsets = [3], sizes = [1], strides = [1]} : vector<16xi32> to vector<1xi32>
    %squeeze3A_35 = vector.extract %slice3A_34[0] : i32 from vector<1xi32>
    %dma_start3A_36 = arith.constant 0 : i32
    %dma_start3A_37 = arith.constant 3 : i32
    %dma_start3A_38 = arith.constant 0 : i32
    %dma_start3A_39 = tpu.memref_slice %arg6[%arg1, %dma_start3A_36, %dma_start3A_37, %dma_start3A_38] : memref<16x2x4x12288xf32, #tpu.memory_space<vmem_shared>> -> memref<1x1x1x12288xf32, #tpu.memory_space<vmem_shared>>
    %dma_start3A_40 = tpu.memref_squeeze %dma_start3A_39 : memref<1x1x1x12288xf32, #tpu.memory_space<vmem_shared>> -> memref<12288xf32, #tpu.memory_space<vmem_shared>>
    %dma_start3A_41 = arith.constant 0 : i32
    %dma_start3A_42 = tpu.memref_slice %arg3[%squeeze3A_35, %dma_start3A_41] : memref<150528x12288xf32, #tpu.memory_space<hbm>> -> memref<1x12288xf32, #tpu.memory_space<hbm>>
    %dma_start3A_43 = tpu.memref_squeeze %dma_start3A_42 : memref<1x12288xf32, #tpu.memory_space<hbm>> -> memref<12288xf32, #tpu.memory_space<hbm>>
    tpu.enqueue_dma source(%dma_start3A_43 : memref<12288xf32, #tpu.memory_space<hbm>>) target(%dma_start3A_40 : memref<12288xf32, #tpu.memory_space<vmem_shared>>) target_semaphore(%arg7 : memref<!tpu.dma_semaphore, #tpu.memory_space<semaphore_mem>>)
    %slice3A_44 = vector.extract_strided_slice %get3A_6 {offsets = [4], sizes = [1], strides = [1]} : vector<16xi32> to vector<1xi32>
    %squeeze3A_45 = vector.extract %slice3A_44[0] : i32 from vector<1xi32>
    %dma_start3A_46 = arith.constant 1 : i32
    %dma_start3A_47 = arith.constant 0 : i32
    %dma_start3A_48 = arith.constant 0 : i32
    %dma_start3A_49 = tpu.memref_slice %arg6[%arg1, %dma_start3A_46, %dma_start3A_47, %dma_start3A_48] : memref<16x2x4x12288xf32, #tpu.memory_space<vmem_shared>> -> memref<1x1x1x12288xf32, #tpu.memory_space<vmem_shared>>
    %dma_start3A_50 = tpu.memref_squeeze %dma_start3A_49 : memref<1x1x1x12288xf32, #tpu.memory_space<vmem_shared>> -> memref<12288xf32, #tpu.memory_space<vmem_shared>>
    %dma_start3A_51 = arith.constant 0 : i32
    %dma_start3A_52 = tpu.memref_slice %arg3[%squeeze3A_45, %dma_start3A_51] : memref<150528x12288xf32, #tpu.memory_space<hbm>> -> memref<1x12288xf32, #tpu.memory_space<hbm>>
    %dma_start3A_53 = tpu.memref_squeeze %dma_start3A_52 : memref<1x12288xf32, #tpu.memory_space<hbm>> -> memref<12288xf32, #tpu.memory_space<hbm>>
    tpu.enqueue_dma source(%dma_start3A_53 : memref<12288xf32, #tpu.memory_space<hbm>>) target(%dma_start3A_50 : memref<12288xf32, #tpu.memory_space<vmem_shared>>) target_semaphore(%arg8 : memref<!tpu.dma_semaphore, #tpu.memory_space<semaphore_mem>>)
    %slice3A_54 = vector.extract_strided_slice %get3A_6 {offsets = [5], sizes = [1], strides = [1]} : vector<16xi32> to vector<1xi32>
    %squeeze3A_55 = vector.extract %slice3A_54[0] : i32 from vector<1xi32>
    %dma_start3A_56 = arith.constant 1 : i32
    %dma_start3A_57 = arith.constant 1 : i32
    %dma_start3A_58 = arith.constant 0 : i32
    %dma_start3A_59 = tpu.memref_slice %arg6[%arg1, %dma_start3A_56, %dma_start3A_57, %dma_start3A_58] : memref<16x2x4x12288xf32, #tpu.memory_space<vmem_shared>> -> memref<1x1x1x12288xf32, #tpu.memory_space<vmem_shared>>
    %dma_start3A_60 = tpu.memref_squeeze %dma_start3A_59 : memref<1x1x1x12288xf32, #tpu.memory_space<vmem_shared>> -> memref<12288xf32, #tpu.memory_space<vmem_shared>>
    %dma_start3A_61 = arith.constant 0 : i32
    %dma_start3A_62 = tpu.memref_slice %arg3[%squeeze3A_55, %dma_start3A_61] : memref<150528x12288xf32, #tpu.memory_space<hbm>> -> memref<1x12288xf32, #tpu.memory_space<hbm>>
    %dma_start3A_63 = tpu.memref_squeeze %dma_start3A_62 : memref<1x12288xf32, #tpu.memory_space<hbm>> -> memref<12288xf32, #tpu.memory_space<hbm>>
    tpu.enqueue_dma source(%dma_start3A_63 : memref<12288xf32, #tpu.memory_space<hbm>>) target(%dma_start3A_60 : memref<12288xf32, #tpu.memory_space<vmem_shared>>) target_semaphore(%arg8 : memref<!tpu.dma_semaphore, #tpu.memory_space<semaphore_mem>>)
    %slice3A_64 = vector.extract_strided_slice %get3A_6 {offsets = [6], sizes = [1], strides = [1]} : vector<16xi32> to vector<1xi32>
    %squeeze3A_65 = vector.extract %slice3A_64[0] : i32 from vector<1xi32>
    %dma_start3A_66 = arith.constant 1 : i32
    %dma_start3A_67 = arith.constant 2 : i32
    %dma_start3A_68 = arith.constant 0 : i32
    %dma_start3A_69 = tpu.memref_slice %arg6[%arg1, %dma_start3A_66, %dma_start3A_67, %dma_start3A_68] : memref<16x2x4x12288xf32, #tpu.memory_space<vmem_shared>> -> memref<1x1x1x12288xf32, #tpu.memory_space<vmem_shared>>
    %dma_start3A_70 = tpu.memref_squeeze %dma_start3A_69 : memref<1x1x1x12288xf32, #tpu.memory_space<vmem_shared>> -> memref<12288xf32, #tpu.memory_space<vmem_shared>>
    %dma_start3A_71 = arith.constant 0 : i32
    %dma_start3A_72 = tpu.memref_slice %arg3[%squeeze3A_65, %dma_start3A_71] : memref<150528x12288xf32, #tpu.memory_space<hbm>> -> memref<1x12288xf32, #tpu.memory_space<hbm>>
    %dma_start3A_73 = tpu.memref_squeeze %dma_start3A_72 : memref<1x12288xf32, #tpu.memory_space<hbm>> -> memref<12288xf32, #tpu.memory_space<hbm>>
    tpu.enqueue_dma source(%dma_start3A_73 : memref<12288xf32, #tpu.memory_space<hbm>>) target(%dma_start3A_70 : memref<12288xf32, #tpu.memory_space<vmem_shared>>) target_semaphore(%arg8 : memref<!tpu.dma_semaphore, #tpu.memory_space<semaphore_mem>>)
    %slice3A_74 = vector.extract_strided_slice %get3A_6 {offsets = [7], sizes = [1], strides = [1]} : vector<16xi32> to vector<1xi32>
    %squeeze3A_75 = vector.extract %slice3A_74[0] : i32 from vector<1xi32>
    %dma_start3A_76 = arith.constant 1 : i32
    %dma_start3A_77 = arith.constant 3 : i32
    %dma_start3A_78 = arith.constant 0 : i32
    %dma_start3A_79 = tpu.memref_slice %arg6[%arg1, %dma_start3A_76, %dma_start3A_77, %dma_start3A_78] : memref<16x2x4x12288xf32, #tpu.memory_space<vmem_shared>> -> memref<1x1x1x12288xf32, #tpu.memory_space<vmem_shared>>
    %dma_start3A_80 = tpu.memref_squeeze %dma_start3A_79 : memref<1x1x1x12288xf32, #tpu.memory_space<vmem_shared>> -> memref<12288xf32, #tpu.memory_space<vmem_shared>>
    %dma_start3A_81 = arith.constant 0 : i32
    %dma_start3A_82 = tpu.memref_slice %arg3[%squeeze3A_75, %dma_start3A_81] : memref<150528x12288xf32, #tpu.memory_space<hbm>> -> memref<1x12288xf32, #tpu.memory_space<hbm>>
    %dma_start3A_83 = tpu.memref_squeeze %dma_start3A_82 : memref<1x12288xf32, #tpu.memory_space<hbm>> -> memref<12288xf32, #tpu.memory_space<hbm>>
    tpu.enqueue_dma source(%dma_start3A_83 : memref<12288xf32, #tpu.memory_space<hbm>>) target(%dma_start3A_80 : memref<12288xf32, #tpu.memory_space<vmem_shared>>) target_semaphore(%arg8 : memref<!tpu.dma_semaphore, #tpu.memory_space<semaphore_mem>>)
    %scan3A = arith.constant 0 : i32
    %scan3A_84 = arith.constant 0 : i32
    %scan3A_85 = arith.constant 15 : i32
    %scan3A_86 = arith.addi %scan3A_84, %scan3A_85 : i32
    %scan3A_87 = arith.constant 1 : i32
    scf.for %scan3A_277 = %scan3A_84 to %scan3A_86 step %scan3A_87  : i32 {
      %get3A_278 = arith.index_cast %scan3A_277 : i32 to index
      %get3A_279 = arith.constant 0 : index
      %get3A_280 = tpu.vector_load %arg5[%get3A_278, %get3A_279] {strides = array<i32>} : memref<16x16xi32, #tpu.memory_space<vmem>>, vector<1x16xi32>,
      %get3A_281 = vector.shape_cast %get3A_280 : vector<1x16xi32> to vector<16xi32>
      %add3A_282 = arith.constant 1 : i32
      %add3A_283 = arith.addi %scan3A_277, %add3A_282 : i32
      %get3A_284 = arith.index_cast %add3A_283 : i32 to index
      %get3A_285 = arith.constant 0 : index
      %get3A_286 = tpu.vector_load %arg5[%get3A_284, %get3A_285] {strides = array<i32>} : memref<16x16xi32, #tpu.memory_space<vmem>>, vector<1x16xi32>,
      %get3A_287 = vector.shape_cast %get3A_286 : vector<1x16xi32> to vector<16xi32>
      %mul3A_288 = arith.constant 16 : i32
      %mul3A_289 = arith.muli %mul3A_288, %scan3A_277 : i32
      %add3A_290 = arith.constant 0 : i32
      %add3A_291 = arith.addi %mul3A_289, %add3A_290 : i32
      %dma_wait3A_292 = arith.constant 0 : i32
      %dma_wait3A_293 = arith.constant 0 : i32
      %dma_wait3A_294 = arith.constant 0 : i32
      %dma_wait3A_295 = tpu.memref_slice %arg6[%arg1, %dma_wait3A_292, %dma_wait3A_293, %dma_wait3A_294] : memref<16x2x4x12288xf32, #tpu.memory_space<vmem_shared>> -> memref<1x1x4x12288xf32, #tpu.memory_space<vmem_shared>>
      %dma_wait3A_296 = tpu.memref_squeeze %dma_wait3A_295 : memref<1x1x4x12288xf32, #tpu.memory_space<vmem_shared>> -> memref<4x12288xf32, #tpu.memory_space<vmem_shared>>
      %dma_wait3A_297 = arith.constant 0 : i32
      %dma_wait3A_298 = arith.constant 0 : i32
      %dma_wait3A_299 = tpu.memref_slice %arg3[%dma_wait3A_297, %dma_wait3A_298] : memref<150528x12288xf32, #tpu.memory_space<hbm>> -> memref<4x12288xf32, #tpu.memory_space<hbm>>
      tpu.wait_dma2 semaphore(%arg7 : memref<!tpu.dma_semaphore, #tpu.memory_space<semaphore_mem>>) src(%dma_wait3A_299 : memref<4x12288xf32, #tpu.memory_space<hbm>>) dst(%dma_wait3A_296 : memref<4x12288xf32, #tpu.memory_space<vmem_shared>>)
      %add3A_300 = arith.addi %mul3A_2, %add3A_291 : i32
      %dma_start3A_301 = arith.constant 0 : i32
      %dma_start3A_302 = arith.constant 0 : i32
      %dma_start3A_303 = tpu.memref_slice %arg4[%add3A_300, %dma_start3A_302] : memref<8192x12288xf32, #tpu.memory_space<hbm>> -> memref<4x12288xf32, #tpu.memory_space<hbm>>
      %dma_start3A_304 = arith.constant 0 : i32
      %dma_start3A_305 = arith.constant 0 : i32
      %dma_start3A_306 = tpu.memref_slice %arg6[%arg1, %dma_start3A_301, %dma_start3A_304, %dma_start3A_305] : memref<16x2x4x12288xf32, #tpu.memory_space<vmem_shared>> -> memref<1x1x4x12288xf32, #tpu.memory_space<vmem_shared>>
      %dma_start3A_307 = tpu.memref_squeeze %dma_start3A_306 : memref<1x1x4x12288xf32, #tpu.memory_space<vmem_shared>> -> memref<4x12288xf32, #tpu.memory_space<vmem_shared>>
      tpu.enqueue_dma source(%dma_start3A_307 : memref<4x12288xf32, #tpu.memory_space<vmem_shared>>) target(%dma_start3A_303 : memref<4x12288xf32, #tpu.memory_space<hbm>>) target_semaphore(%arg9 : memref<!tpu.dma_semaphore, #tpu.memory_space<semaphore_mem>>)
      %mul3A_308 = arith.constant 16 : i32
      %mul3A_309 = arith.muli %mul3A_308, %scan3A_277 : i32
      %add3A_310 = arith.constant 4 : i32
      %add3A_311 = arith.addi %mul3A_309, %add3A_310 : i32
      %dma_wait3A_312 = arith.constant 1 : i32
      %dma_wait3A_313 = arith.constant 0 : i32
      %dma_wait3A_314 = arith.constant 0 : i32
      %dma_wait3A_315 = tpu.memref_slice %arg6[%arg1, %dma_wait3A_312, %dma_wait3A_313, %dma_wait3A_314] : memref<16x2x4x12288xf32, #tpu.memory_space<vmem_shared>> -> memref<1x1x4x12288xf32, #tpu.memory_space<vmem_shared>>
      %dma_wait3A_316 = tpu.memref_squeeze %dma_wait3A_315 : memref<1x1x4x12288xf32, #tpu.memory_space<vmem_shared>> -> memref<4x12288xf32, #tpu.memory_space<vmem_shared>>
      %dma_wait3A_317 = arith.constant 0 : i32
      %dma_wait3A_318 = arith.constant 0 : i32
      %dma_wait3A_319 = tpu.memref_slice %arg3[%dma_wait3A_317, %dma_wait3A_318] : memref<150528x12288xf32, #tpu.memory_space<hbm>> -> memref<4x12288xf32, #tpu.memory_space<hbm>>
      tpu.wait_dma2 semaphore(%arg8 : memref<!tpu.dma_semaphore, #tpu.memory_space<semaphore_mem>>) src(%dma_wait3A_319 : memref<4x12288xf32, #tpu.memory_space<hbm>>) dst(%dma_wait3A_316 : memref<4x12288xf32, #tpu.memory_space<vmem_shared>>)
      %add3A_320 = arith.addi %mul3A_2, %add3A_311 : i32
      %dma_start3A_321 = arith.constant 1 : i32
      %dma_start3A_322 = arith.constant 0 : i32
      %dma_start3A_323 = tpu.memref_slice %arg4[%add3A_320, %dma_start3A_322] : memref<8192x12288xf32, #tpu.memory_space<hbm>> -> memref<4x12288xf32, #tpu.memory_space<hbm>>
      %dma_start3A_324 = arith.constant 0 : i32
      %dma_start3A_325 = arith.constant 0 : i32
      %dma_start3A_326 = tpu.memref_slice %arg6[%arg1, %dma_start3A_321, %dma_start3A_324, %dma_start3A_325] : memref<16x2x4x12288xf32, #tpu.memory_space<vmem_shared>> -> memref<1x1x4x12288xf32, #tpu.memory_space<vmem_shared>>
      %dma_start3A_327 = tpu.memref_squeeze %dma_start3A_326 : memref<1x1x4x12288xf32, #tpu.memory_space<vmem_shared>> -> memref<4x12288xf32, #tpu.memory_space<vmem_shared>>
      tpu.enqueue_dma source(%dma_start3A_327 : memref<4x12288xf32, #tpu.memory_space<vmem_shared>>) target(%dma_start3A_323 : memref<4x12288xf32, #tpu.memory_space<hbm>>) target_semaphore(%arg10 : memref<!tpu.dma_semaphore, #tpu.memory_space<semaphore_mem>>)
      %mul3A_328 = arith.constant 16 : i32
      %mul3A_329 = arith.muli %mul3A_328, %scan3A_277 : i32
      %add3A_330 = arith.constant 0 : i32
      %add3A_331 = arith.addi %mul3A_329, %add3A_330 : i32
      %add3A_332 = arith.addi %mul3A_2, %add3A_331 : i32
      %dma_wait3A_333 = arith.constant 0 : i32
      %dma_wait3A_334 = arith.constant 0 : i32
      %dma_wait3A_335 = tpu.memref_slice %arg4[%add3A_332, %dma_wait3A_334] : memref<8192x12288xf32, #tpu.memory_space<hbm>> -> memref<4x12288xf32, #tpu.memory_space<hbm>>
      %dma_wait3A_336 = arith.constant 0 : i32
      %dma_wait3A_337 = arith.constant 0 : i32
      %dma_wait3A_338 = tpu.memref_slice %arg6[%arg1, %dma_wait3A_333, %dma_wait3A_336, %dma_wait3A_337] : memref<16x2x4x12288xf32, #tpu.memory_space<vmem_shared>> -> memref<1x1x4x12288xf32, #tpu.memory_space<vmem_shared>>
      %dma_wait3A_339 = tpu.memref_squeeze %dma_wait3A_338 : memref<1x1x4x12288xf32, #tpu.memory_space<vmem_shared>> -> memref<4x12288xf32, #tpu.memory_space<vmem_shared>>
      tpu.wait_dma2 semaphore(%arg9 : memref<!tpu.dma_semaphore, #tpu.memory_space<semaphore_mem>>) src(%dma_wait3A_339 : memref<4x12288xf32, #tpu.memory_space<vmem_shared>>) dst(%dma_wait3A_335 : memref<4x12288xf32, #tpu.memory_space<hbm>>)
      %slice3A_340 = vector.extract_strided_slice %get3A_281 {offsets = [8], sizes = [1], strides = [1]} : vector<16xi32> to vector<1xi32>
      %squeeze3A_341 = vector.extract %slice3A_340[0] : i32 from vector<1xi32>
      %dma_start3A_342 = arith.constant 0 : i32
      %dma_start3A_343 = arith.constant 0 : i32
      %dma_start3A_344 = arith.constant 0 : i32
      %dma_start3A_345 = tpu.memref_slice %arg6[%arg1, %dma_start3A_342, %dma_start3A_343, %dma_start3A_344] : memref<16x2x4x12288xf32, #tpu.memory_space<vmem_shared>> -> memref<1x1x1x12288xf32, #tpu.memory_space<vmem_shared>>
      %dma_start3A_346 = tpu.memref_squeeze %dma_start3A_345 : memref<1x1x1x12288xf32, #tpu.memory_space<vmem_shared>> -> memref<12288xf32, #tpu.memory_space<vmem_shared>>
      %dma_start3A_347 = arith.constant 0 : i32
      %dma_start3A_348 = tpu.memref_slice %arg3[%squeeze3A_341, %dma_start3A_347] : memref<150528x12288xf32, #tpu.memory_space<hbm>> -> memref<1x12288xf32, #tpu.memory_space<hbm>>
      %dma_start3A_349 = tpu.memref_squeeze %dma_start3A_348 : memref<1x12288xf32, #tpu.memory_space<hbm>> -> memref<12288xf32, #tpu.memory_space<hbm>>
      tpu.enqueue_dma source(%dma_start3A_349 : memref<12288xf32, #tpu.memory_space<hbm>>) target(%dma_start3A_346 : memref<12288xf32, #tpu.memory_space<vmem_shared>>) target_semaphore(%arg7 : memref<!tpu.dma_semaphore, #tpu.memory_space<semaphore_mem>>)
      %slice3A_350 = vector.extract_strided_slice %get3A_281 {offsets = [9], sizes = [1], strides = [1]} : vector<16xi32> to vector<1xi32>
      %squeeze3A_351 = vector.extract %slice3A_350[0] : i32 from vector<1xi32>
      %dma_start3A_352 = arith.constant 0 : i32
      %dma_start3A_353 = arith.constant 1 : i32
      %dma_start3A_354 = arith.constant 0 : i32
      %dma_start3A_355 = tpu.memref_slice %arg6[%arg1, %dma_start3A_352, %dma_start3A_353, %dma_start3A_354] : memref<16x2x4x12288xf32, #tpu.memory_space<vmem_shared>> -> memref<1x1x1x12288xf32, #tpu.memory_space<vmem_shared>>
      %dma_start3A_356 = tpu.memref_squeeze %dma_start3A_355 : memref<1x1x1x12288xf32, #tpu.memory_space<vmem_shared>> -> memref<12288xf32, #tpu.memory_space<vmem_shared>>
      %dma_start3A_357 = arith.constant 0 : i32
      %dma_start3A_358 = tpu.memref_slice %arg3[%squeeze3A_351, %dma_start3A_357] : memref<150528x12288xf32, #tpu.memory_space<hbm>> -> memref<1x12288xf32, #tpu.memory_space<hbm>>
      %dma_start3A_359 = tpu.memref_squeeze %dma_start3A_358 : memref<1x12288xf32, #tpu.memory_space<hbm>> -> memref<12288xf32, #tpu.memory_space<hbm>>
      tpu.enqueue_dma source(%dma_start3A_359 : memref<12288xf32, #tpu.memory_space<hbm>>) target(%dma_start3A_356 : memref<12288xf32, #tpu.memory_space<vmem_shared>>) target_semaphore(%arg7 : memref<!tpu.dma_semaphore, #tpu.memory_space<semaphore_mem>>)
      %slice3A_360 = vector.extract_strided_slice %get3A_281 {offsets = [10], sizes = [1], strides = [1]} : vector<16xi32> to vector<1xi32>
      %squeeze3A_361 = vector.extract %slice3A_360[0] : i32 from vector<1xi32>
      %dma_start3A_362 = arith.constant 0 : i32
      %dma_start3A_363 = arith.constant 2 : i32
      %dma_start3A_364 = arith.constant 0 : i32
      %dma_start3A_365 = tpu.memref_slice %arg6[%arg1, %dma_start3A_362, %dma_start3A_363, %dma_start3A_364] : memref<16x2x4x12288xf32, #tpu.memory_space<vmem_shared>> -> memref<1x1x1x12288xf32, #tpu.memory_space<vmem_shared>>
      %dma_start3A_366 = tpu.memref_squeeze %dma_start3A_365 : memref<1x1x1x12288xf32, #tpu.memory_space<vmem_shared>> -> memref<12288xf32, #tpu.memory_space<vmem_shared>>
      %dma_start3A_367 = arith.constant 0 : i32
      %dma_start3A_368 = tpu.memref_slice %arg3[%squeeze3A_361, %dma_start3A_367] : memref<150528x12288xf32, #tpu.memory_space<hbm>> -> memref<1x12288xf32, #tpu.memory_space<hbm>>
      %dma_start3A_369 = tpu.memref_squeeze %dma_start3A_368 : memref<1x12288xf32, #tpu.memory_space<hbm>> -> memref<12288xf32, #tpu.memory_space<hbm>>
      tpu.enqueue_dma source(%dma_start3A_369 : memref<12288xf32, #tpu.memory_space<hbm>>) target(%dma_start3A_366 : memref<12288xf32, #tpu.memory_space<vmem_shared>>) target_semaphore(%arg7 : memref<!tpu.dma_semaphore, #tpu.memory_space<semaphore_mem>>)
      %slice3A_370 = vector.extract_strided_slice %get3A_281 {offsets = [11], sizes = [1], strides = [1]} : vector<16xi32> to vector<1xi32>
      %squeeze3A_371 = vector.extract %slice3A_370[0] : i32 from vector<1xi32>
      %dma_start3A_372 = arith.constant 0 : i32
      %dma_start3A_373 = arith.constant 3 : i32
      %dma_start3A_374 = arith.constant 0 : i32
      %dma_start3A_375 = tpu.memref_slice %arg6[%arg1, %dma_start3A_372, %dma_start3A_373, %dma_start3A_374] : memref<16x2x4x12288xf32, #tpu.memory_space<vmem_shared>> -> memref<1x1x1x12288xf32, #tpu.memory_space<vmem_shared>>
      %dma_start3A_376 = tpu.memref_squeeze %dma_start3A_375 : memref<1x1x1x12288xf32, #tpu.memory_space<vmem_shared>> -> memref<12288xf32, #tpu.memory_space<vmem_shared>>
      %dma_start3A_377 = arith.constant 0 : i32
      %dma_start3A_378 = tpu.memref_slice %arg3[%squeeze3A_371, %dma_start3A_377] : memref<150528x12288xf32, #tpu.memory_space<hbm>> -> memref<1x12288xf32, #tpu.memory_space<hbm>>
      %dma_start3A_379 = tpu.memref_squeeze %dma_start3A_378 : memref<1x12288xf32, #tpu.memory_space<hbm>> -> memref<12288xf32, #tpu.memory_space<hbm>>
      tpu.enqueue_dma source(%dma_start3A_379 : memref<12288xf32, #tpu.memory_space<hbm>>) target(%dma_start3A_376 : memref<12288xf32, #tpu.memory_space<vmem_shared>>) target_semaphore(%arg7 : memref<!tpu.dma_semaphore, #tpu.memory_space<semaphore_mem>>)
      %mul3A_380 = arith.constant 16 : i32
      %mul3A_381 = arith.muli %mul3A_380, %scan3A_277 : i32
      %add3A_382 = arith.constant 4 : i32
      %add3A_383 = arith.addi %mul3A_381, %add3A_382 : i32
      %add3A_384 = arith.addi %mul3A_2, %add3A_383 : i32
      %dma_wait3A_385 = arith.constant 1 : i32
      %dma_wait3A_386 = arith.constant 0 : i32
      %dma_wait3A_387 = tpu.memref_slice %arg4[%add3A_384, %dma_wait3A_386] : memref<8192x12288xf32, #tpu.memory_space<hbm>> -> memref<4x12288xf32, #tpu.memory_space<hbm>>
      %dma_wait3A_388 = arith.constant 0 : i32
      %dma_wait3A_389 = arith.constant 0 : i32
      %dma_wait3A_390 = tpu.memref_slice %arg6[%arg1, %dma_wait3A_385, %dma_wait3A_388, %dma_wait3A_389] : memref<16x2x4x12288xf32, #tpu.memory_space<vmem_shared>> -> memref<1x1x4x12288xf32, #tpu.memory_space<vmem_shared>>
      %dma_wait3A_391 = tpu.memref_squeeze %dma_wait3A_390 : memref<1x1x4x12288xf32, #tpu.memory_space<vmem_shared>> -> memref<4x12288xf32, #tpu.memory_space<vmem_shared>>
      tpu.wait_dma2 semaphore(%arg10 : memref<!tpu.dma_semaphore, #tpu.memory_space<semaphore_mem>>) src(%dma_wait3A_391 : memref<4x12288xf32, #tpu.memory_space<vmem_shared>>) dst(%dma_wait3A_387 : memref<4x12288xf32, #tpu.memory_space<hbm>>)
      %slice3A_392 = vector.extract_strided_slice %get3A_281 {offsets = [12], sizes = [1], strides = [1]} : vector<16xi32> to vector<1xi32>
      %squeeze3A_393 = vector.extract %slice3A_392[0] : i32 from vector<1xi32>
      %dma_start3A_394 = arith.constant 1 : i32
      %dma_start3A_395 = arith.constant 0 : i32
      %dma_start3A_396 = arith.constant 0 : i32
      %dma_start3A_397 = tpu.memref_slice %arg6[%arg1, %dma_start3A_394, %dma_start3A_395, %dma_start3A_396] : memref<16x2x4x12288xf32, #tpu.memory_space<vmem_shared>> -> memref<1x1x1x12288xf32, #tpu.memory_space<vmem_shared>>
      %dma_start3A_398 = tpu.memref_squeeze %dma_start3A_397 : memref<1x1x1x12288xf32, #tpu.memory_space<vmem_shared>> -> memref<12288xf32, #tpu.memory_space<vmem_shared>>
      %dma_start3A_399 = arith.constant 0 : i32
      %dma_start3A_400 = tpu.memref_slice %arg3[%squeeze3A_393, %dma_start3A_399] : memref<150528x12288xf32, #tpu.memory_space<hbm>> -> memref<1x12288xf32, #tpu.memory_space<hbm>>
      %dma_start3A_401 = tpu.memref_squeeze %dma_start3A_400 : memref<1x12288xf32, #tpu.memory_space<hbm>> -> memref<12288xf32, #tpu.memory_space<hbm>>
      tpu.enqueue_dma source(%dma_start3A_401 : memref<12288xf32, #tpu.memory_space<hbm>>) target(%dma_start3A_398 : memref<12288xf32, #tpu.memory_space<vmem_shared>>) target_semaphore(%arg8 : memref<!tpu.dma_semaphore, #tpu.memory_space<semaphore_mem>>)
      %slice3A_402 = vector.extract_strided_slice %get3A_281 {offsets = [13], sizes = [1], strides = [1]} : vector<16xi32> to vector<1xi32>
      %squeeze3A_403 = vector.extract %slice3A_402[0] : i32 from vector<1xi32>
      %dma_start3A_404 = arith.constant 1 : i32
      %dma_start3A_405 = arith.constant 1 : i32
      %dma_start3A_406 = arith.constant 0 : i32
      %dma_start3A_407 = tpu.memref_slice %arg6[%arg1, %dma_start3A_404, %dma_start3A_405, %dma_start3A_406] : memref<16x2x4x12288xf32, #tpu.memory_space<vmem_shared>> -> memref<1x1x1x12288xf32, #tpu.memory_space<vmem_shared>>
      %dma_start3A_408 = tpu.memref_squeeze %dma_start3A_407 : memref<1x1x1x12288xf32, #tpu.memory_space<vmem_shared>> -> memref<12288xf32, #tpu.memory_space<vmem_shared>>
      %dma_start3A_409 = arith.constant 0 : i32
      %dma_start3A_410 = tpu.memref_slice %arg3[%squeeze3A_403, %dma_start3A_409] : memref<150528x12288xf32, #tpu.memory_space<hbm>> -> memref<1x12288xf32, #tpu.memory_space<hbm>>
      %dma_start3A_411 = tpu.memref_squeeze %dma_start3A_410 : memref<1x12288xf32, #tpu.memory_space<hbm>> -> memref<12288xf32, #tpu.memory_space<hbm>>
      tpu.enqueue_dma source(%dma_start3A_411 : memref<12288xf32, #tpu.memory_space<hbm>>) target(%dma_start3A_408 : memref<12288xf32, #tpu.memory_space<vmem_shared>>) target_semaphore(%arg8 : memref<!tpu.dma_semaphore, #tpu.memory_space<semaphore_mem>>)
      %slice3A_412 = vector.extract_strided_slice %get3A_281 {offsets = [14], sizes = [1], strides = [1]} : vector<16xi32> to vector<1xi32>
      %squeeze3A_413 = vector.extract %slice3A_412[0] : i32 from vector<1xi32>
      %dma_start3A_414 = arith.constant 1 : i32
      %dma_start3A_415 = arith.constant 2 : i32
      %dma_start3A_416 = arith.constant 0 : i32
      %dma_start3A_417 = tpu.memref_slice %arg6[%arg1, %dma_start3A_414, %dma_start3A_415, %dma_start3A_416] : memref<16x2x4x12288xf32, #tpu.memory_space<vmem_shared>> -> memref<1x1x1x12288xf32, #tpu.memory_space<vmem_shared>>
      %dma_start3A_418 = tpu.memref_squeeze %dma_start3A_417 : memref<1x1x1x12288xf32, #tpu.memory_space<vmem_shared>> -> memref<12288xf32, #tpu.memory_space<vmem_shared>>
      %dma_start3A_419 = arith.constant 0 : i32
      %dma_start3A_420 = tpu.memref_slice %arg3[%squeeze3A_413, %dma_start3A_419] : memref<150528x12288xf32, #tpu.memory_space<hbm>> -> memref<1x12288xf32, #tpu.memory_space<hbm>>
      %dma_start3A_421 = tpu.memref_squeeze %dma_start3A_420 : memref<1x12288xf32, #tpu.memory_space<hbm>> -> memref<12288xf32, #tpu.memory_space<hbm>>
      tpu.enqueue_dma source(%dma_start3A_421 : memref<12288xf32, #tpu.memory_space<hbm>>) target(%dma_start3A_418 : memref<12288xf32, #tpu.memory_space<vmem_shared>>) target_semaphore(%arg8 : memref<!tpu.dma_semaphore, #tpu.memory_space<semaphore_mem>>)
      %slice3A_422 = vector.extract_strided_slice %get3A_281 {offsets = [15], sizes = [1], strides = [1]} : vector<16xi32> to vector<1xi32>
      %squeeze3A_423 = vector.extract %slice3A_422[0] : i32 from vector<1xi32>
      %dma_start3A_424 = arith.constant 1 : i32
      %dma_start3A_425 = arith.constant 3 : i32
      %dma_start3A_426 = arith.constant 0 : i32
      %dma_start3A_427 = tpu.memref_slice %arg6[%arg1, %dma_start3A_424, %dma_start3A_425, %dma_start3A_426] : memref<16x2x4x12288xf32, #tpu.memory_space<vmem_shared>> -> memref<1x1x1x12288xf32, #tpu.memory_space<vmem_shared>>
      %dma_start3A_428 = tpu.memref_squeeze %dma_start3A_427 : memref<1x1x1x12288xf32, #tpu.memory_space<vmem_shared>> -> memref<12288xf32, #tpu.memory_space<vmem_shared>>
      %dma_start3A_429 = arith.constant 0 : i32
      %dma_start3A_430 = tpu.memref_slice %arg3[%squeeze3A_423, %dma_start3A_429] : memref<150528x12288xf32, #tpu.memory_space<hbm>> -> memref<1x12288xf32, #tpu.memory_space<hbm>>
      %dma_start3A_431 = tpu.memref_squeeze %dma_start3A_430 : memref<1x12288xf32, #tpu.memory_space<hbm>> -> memref<12288xf32, #tpu.memory_space<hbm>>
      tpu.enqueue_dma source(%dma_start3A_431 : memref<12288xf32, #tpu.memory_space<hbm>>) target(%dma_start3A_428 : memref<12288xf32, #tpu.memory_space<vmem_shared>>) target_semaphore(%arg8 : memref<!tpu.dma_semaphore, #tpu.memory_space<semaphore_mem>>)
      %mul3A_432 = arith.constant 16 : i32
      %mul3A_433 = arith.muli %mul3A_432, %scan3A_277 : i32
      %add3A_434 = arith.constant 8 : i32
      %add3A_435 = arith.addi %mul3A_433, %add3A_434 : i32
      %dma_wait3A_436 = arith.constant 0 : i32
      %dma_wait3A_437 = arith.constant 0 : i32
      %dma_wait3A_438 = arith.constant 0 : i32
      %dma_wait3A_439 = tpu.memref_slice %arg6[%arg1, %dma_wait3A_436, %dma_wait3A_437, %dma_wait3A_438] : memref<16x2x4x12288xf32, #tpu.memory_space<vmem_shared>> -> memref<1x1x4x12288xf32, #tpu.memory_space<vmem_shared>>
      %dma_wait3A_440 = tpu.memref_squeeze %dma_wait3A_439 : memref<1x1x4x12288xf32, #tpu.memory_space<vmem_shared>> -> memref<4x12288xf32, #tpu.memory_space<vmem_shared>>
      %dma_wait3A_441 = arith.constant 0 : i32
      %dma_wait3A_442 = arith.constant 0 : i32
      %dma_wait3A_443 = tpu.memref_slice %arg3[%dma_wait3A_441, %dma_wait3A_442] : memref<150528x12288xf32, #tpu.memory_space<hbm>> -> memref<4x12288xf32, #tpu.memory_space<hbm>>
      tpu.wait_dma2 semaphore(%arg7 : memref<!tpu.dma_semaphore, #tpu.memory_space<semaphore_mem>>) src(%dma_wait3A_443 : memref<4x12288xf32, #tpu.memory_space<hbm>>) dst(%dma_wait3A_440 : memref<4x12288xf32, #tpu.memory_space<vmem_shared>>)
      %add3A_444 = arith.addi %mul3A_2, %add3A_435 : i32
      %dma_start3A_445 = arith.constant 0 : i32
      %dma_start3A_446 = arith.constant 0 : i32
      %dma_start3A_447 = tpu.memref_slice %arg4[%add3A_444, %dma_start3A_446] : memref<8192x12288xf32, #tpu.memory_space<hbm>> -> memref<4x12288xf32, #tpu.memory_space<hbm>>
      %dma_start3A_448 = arith.constant 0 : i32
      %dma_start3A_449 = arith.constant 0 : i32
      %dma_start3A_450 = tpu.memref_slice %arg6[%arg1, %dma_start3A_445, %dma_start3A_448, %dma_start3A_449] : memref<16x2x4x12288xf32, #tpu.memory_space<vmem_shared>> -> memref<1x1x4x12288xf32, #tpu.memory_space<vmem_shared>>
      %dma_start3A_451 = tpu.memref_squeeze %dma_start3A_450 : memref<1x1x4x12288xf32, #tpu.memory_space<vmem_shared>> -> memref<4x12288xf32, #tpu.memory_space<vmem_shared>>
      tpu.enqueue_dma source(%dma_start3A_451 : memref<4x12288xf32, #tpu.memory_space<vmem_shared>>) target(%dma_start3A_447 : memref<4x12288xf32, #tpu.memory_space<hbm>>) target_semaphore(%arg9 : memref<!tpu.dma_semaphore, #tpu.memory_space<semaphore_mem>>)
      %mul3A_452 = arith.constant 16 : i32
      %mul3A_453 = arith.muli %mul3A_452, %scan3A_277 : i32
      %add3A_454 = arith.constant 12 : i32
      %add3A_455 = arith.addi %mul3A_453, %add3A_454 : i32
      %dma_wait3A_456 = arith.constant 1 : i32
      %dma_wait3A_457 = arith.constant 0 : i32
      %dma_wait3A_458 = arith.constant 0 : i32
      %dma_wait3A_459 = tpu.memref_slice %arg6[%arg1, %dma_wait3A_456, %dma_wait3A_457, %dma_wait3A_458] : memref<16x2x4x12288xf32, #tpu.memory_space<vmem_shared>> -> memref<1x1x4x12288xf32, #tpu.memory_space<vmem_shared>>
      %dma_wait3A_460 = tpu.memref_squeeze %dma_wait3A_459 : memref<1x1x4x12288xf32, #tpu.memory_space<vmem_shared>> -> memref<4x12288xf32, #tpu.memory_space<vmem_shared>>
      %dma_wait3A_461 = arith.constant 0 : i32
      %dma_wait3A_462 = arith.constant 0 : i32
      %dma_wait3A_463 = tpu.memref_slice %arg3[%dma_wait3A_461, %dma_wait3A_462] : memref<150528x12288xf32, #tpu.memory_space<hbm>> -> memref<4x12288xf32, #tpu.memory_space<hbm>>
      tpu.wait_dma2 semaphore(%arg8 : memref<!tpu.dma_semaphore, #tpu.memory_space<semaphore_mem>>) src(%dma_wait3A_463 : memref<4x12288xf32, #tpu.memory_space<hbm>>) dst(%dma_wait3A_460 : memref<4x12288xf32, #tpu.memory_space<vmem_shared>>)
      %add3A_464 = arith.addi %mul3A_2, %add3A_455 : i32
      %dma_start3A_465 = arith.constant 1 : i32
      %dma_start3A_466 = arith.constant 0 : i32
      %dma_start3A_467 = tpu.memref_slice %arg4[%add3A_464, %dma_start3A_466] : memref<8192x12288xf32, #tpu.memory_space<hbm>> -> memref<4x12288xf32, #tpu.memory_space<hbm>>
      %dma_start3A_468 = arith.constant 0 : i32
      %dma_start3A_469 = arith.constant 0 : i32
      %dma_start3A_470 = tpu.memref_slice %arg6[%arg1, %dma_start3A_465, %dma_start3A_468, %dma_start3A_469] : memref<16x2x4x12288xf32, #tpu.memory_space<vmem_shared>> -> memref<1x1x4x12288xf32, #tpu.memory_space<vmem_shared>>
      %dma_start3A_471 = tpu.memref_squeeze %dma_start3A_470 : memref<1x1x4x12288xf32, #tpu.memory_space<vmem_shared>> -> memref<4x12288xf32, #tpu.memory_space<vmem_shared>>
      tpu.enqueue_dma source(%dma_start3A_471 : memref<4x12288xf32, #tpu.memory_space<vmem_shared>>) target(%dma_start3A_467 : memref<4x12288xf32, #tpu.memory_space<hbm>>) target_semaphore(%arg10 : memref<!tpu.dma_semaphore, #tpu.memory_space<semaphore_mem>>)
      %mul3A_472 = arith.constant 16 : i32
      %mul3A_473 = arith.muli %mul3A_472, %scan3A_277 : i32
      %add3A_474 = arith.constant 8 : i32
      %add3A_475 = arith.addi %mul3A_473, %add3A_474 : i32
      %add3A_476 = arith.addi %mul3A_2, %add3A_475 : i32
      %dma_wait3A_477 = arith.constant 0 : i32
      %dma_wait3A_478 = arith.constant 0 : i32
      %dma_wait3A_479 = tpu.memref_slice %arg4[%add3A_476, %dma_wait3A_478] : memref<8192x12288xf32, #tpu.memory_space<hbm>> -> memref<4x12288xf32, #tpu.memory_space<hbm>>
      %dma_wait3A_480 = arith.constant 0 : i32
      %dma_wait3A_481 = arith.constant 0 : i32
      %dma_wait3A_482 = tpu.memref_slice %arg6[%arg1, %dma_wait3A_477, %dma_wait3A_480, %dma_wait3A_481] : memref<16x2x4x12288xf32, #tpu.memory_space<vmem_shared>> -> memref<1x1x4x12288xf32, #tpu.memory_space<vmem_shared>>
      %dma_wait3A_483 = tpu.memref_squeeze %dma_wait3A_482 : memref<1x1x4x12288xf32, #tpu.memory_space<vmem_shared>> -> memref<4x12288xf32, #tpu.memory_space<vmem_shared>>
      tpu.wait_dma2 semaphore(%arg9 : memref<!tpu.dma_semaphore, #tpu.memory_space<semaphore_mem>>) src(%dma_wait3A_483 : memref<4x12288xf32, #tpu.memory_space<vmem_shared>>) dst(%dma_wait3A_479 : memref<4x12288xf32, #tpu.memory_space<hbm>>)
      %slice3A_484 = vector.extract_strided_slice %get3A_287 {offsets = [0], sizes = [1], strides = [1]} : vector<16xi32> to vector<1xi32>
      %squeeze3A_485 = vector.extract %slice3A_484[0] : i32 from vector<1xi32>
      %dma_start3A_486 = arith.constant 0 : i32
      %dma_start3A_487 = arith.constant 0 : i32
      %dma_start3A_488 = arith.constant 0 : i32
      %dma_start3A_489 = tpu.memref_slice %arg6[%arg1, %dma_start3A_486, %dma_start3A_487, %dma_start3A_488] : memref<16x2x4x12288xf32, #tpu.memory_space<vmem_shared>> -> memref<1x1x1x12288xf32, #tpu.memory_space<vmem_shared>>
      %dma_start3A_490 = tpu.memref_squeeze %dma_start3A_489 : memref<1x1x1x12288xf32, #tpu.memory_space<vmem_shared>> -> memref<12288xf32, #tpu.memory_space<vmem_shared>>
      %dma_start3A_491 = arith.constant 0 : i32
      %dma_start3A_492 = tpu.memref_slice %arg3[%squeeze3A_485, %dma_start3A_491] : memref<150528x12288xf32, #tpu.memory_space<hbm>> -> memref<1x12288xf32, #tpu.memory_space<hbm>>
      %dma_start3A_493 = tpu.memref_squeeze %dma_start3A_492 : memref<1x12288xf32, #tpu.memory_space<hbm>> -> memref<12288xf32, #tpu.memory_space<hbm>>
      tpu.enqueue_dma source(%dma_start3A_493 : memref<12288xf32, #tpu.memory_space<hbm>>) target(%dma_start3A_490 : memref<12288xf32, #tpu.memory_space<vmem_shared>>) target_semaphore(%arg7 : memref<!tpu.dma_semaphore, #tpu.memory_space<semaphore_mem>>)
      %slice3A_494 = vector.extract_strided_slice %get3A_287 {offsets = [1], sizes = [1], strides = [1]} : vector<16xi32> to vector<1xi32>
      %squeeze3A_495 = vector.extract %slice3A_494[0] : i32 from vector<1xi32>
      %dma_start3A_496 = arith.constant 0 : i32
      %dma_start3A_497 = arith.constant 1 : i32
      %dma_start3A_498 = arith.constant 0 : i32
      %dma_start3A_499 = tpu.memref_slice %arg6[%arg1, %dma_start3A_496, %dma_start3A_497, %dma_start3A_498] : memref<16x2x4x12288xf32, #tpu.memory_space<vmem_shared>> -> memref<1x1x1x12288xf32, #tpu.memory_space<vmem_shared>>
      %dma_start3A_500 = tpu.memref_squeeze %dma_start3A_499 : memref<1x1x1x12288xf32, #tpu.memory_space<vmem_shared>> -> memref<12288xf32, #tpu.memory_space<vmem_shared>>
      %dma_start3A_501 = arith.constant 0 : i32
      %dma_start3A_502 = tpu.memref_slice %arg3[%squeeze3A_495, %dma_start3A_501] : memref<150528x12288xf32, #tpu.memory_space<hbm>> -> memref<1x12288xf32, #tpu.memory_space<hbm>>
      %dma_start3A_503 = tpu.memref_squeeze %dma_start3A_502 : memref<1x12288xf32, #tpu.memory_space<hbm>> -> memref<12288xf32, #tpu.memory_space<hbm>>
      tpu.enqueue_dma source(%dma_start3A_503 : memref<12288xf32, #tpu.memory_space<hbm>>) target(%dma_start3A_500 : memref<12288xf32, #tpu.memory_space<vmem_shared>>) target_semaphore(%arg7 : memref<!tpu.dma_semaphore, #tpu.memory_space<semaphore_mem>>)
      %slice3A_504 = vector.extract_strided_slice %get3A_287 {offsets = [2], sizes = [1], strides = [1]} : vector<16xi32> to vector<1xi32>
      %squeeze3A_505 = vector.extract %slice3A_504[0] : i32 from vector<1xi32>
      %dma_start3A_506 = arith.constant 0 : i32
      %dma_start3A_507 = arith.constant 2 : i32
      %dma_start3A_508 = arith.constant 0 : i32
      %dma_start3A_509 = tpu.memref_slice %arg6[%arg1, %dma_start3A_506, %dma_start3A_507, %dma_start3A_508] : memref<16x2x4x12288xf32, #tpu.memory_space<vmem_shared>> -> memref<1x1x1x12288xf32, #tpu.memory_space<vmem_shared>>
      %dma_start3A_510 = tpu.memref_squeeze %dma_start3A_509 : memref<1x1x1x12288xf32, #tpu.memory_space<vmem_shared>> -> memref<12288xf32, #tpu.memory_space<vmem_shared>>
      %dma_start3A_511 = arith.constant 0 : i32
      %dma_start3A_512 = tpu.memref_slice %arg3[%squeeze3A_505, %dma_start3A_511] : memref<150528x12288xf32, #tpu.memory_space<hbm>> -> memref<1x12288xf32, #tpu.memory_space<hbm>>
      %dma_start3A_513 = tpu.memref_squeeze %dma_start3A_512 : memref<1x12288xf32, #tpu.memory_space<hbm>> -> memref<12288xf32, #tpu.memory_space<hbm>>
      tpu.enqueue_dma source(%dma_start3A_513 : memref<12288xf32, #tpu.memory_space<hbm>>) target(%dma_start3A_510 : memref<12288xf32, #tpu.memory_space<vmem_shared>>) target_semaphore(%arg7 : memref<!tpu.dma_semaphore, #tpu.memory_space<semaphore_mem>>)
      %slice3A_514 = vector.extract_strided_slice %get3A_287 {offsets = [3], sizes = [1], strides = [1]} : vector<16xi32> to vector<1xi32>
      %squeeze3A_515 = vector.extract %slice3A_514[0] : i32 from vector<1xi32>
      %dma_start3A_516 = arith.constant 0 : i32
      %dma_start3A_517 = arith.constant 3 : i32
      %dma_start3A_518 = arith.constant 0 : i32
      %dma_start3A_519 = tpu.memref_slice %arg6[%arg1, %dma_start3A_516, %dma_start3A_517, %dma_start3A_518] : memref<16x2x4x12288xf32, #tpu.memory_space<vmem_shared>> -> memref<1x1x1x12288xf32, #tpu.memory_space<vmem_shared>>
      %dma_start3A_520 = tpu.memref_squeeze %dma_start3A_519 : memref<1x1x1x12288xf32, #tpu.memory_space<vmem_shared>> -> memref<12288xf32, #tpu.memory_space<vmem_shared>>
      %dma_start3A_521 = arith.constant 0 : i32
      %dma_start3A_522 = tpu.memref_slice %arg3[%squeeze3A_515, %dma_start3A_521] : memref<150528x12288xf32, #tpu.memory_space<hbm>> -> memref<1x12288xf32, #tpu.memory_space<hbm>>
      %dma_start3A_523 = tpu.memref_squeeze %dma_start3A_522 : memref<1x12288xf32, #tpu.memory_space<hbm>> -> memref<12288xf32, #tpu.memory_space<hbm>>
      tpu.enqueue_dma source(%dma_start3A_523 : memref<12288xf32, #tpu.memory_space<hbm>>) target(%dma_start3A_520 : memref<12288xf32, #tpu.memory_space<vmem_shared>>) target_semaphore(%arg7 : memref<!tpu.dma_semaphore, #tpu.memory_space<semaphore_mem>>)
      %mul3A_524 = arith.constant 16 : i32
      %mul3A_525 = arith.muli %mul3A_524, %scan3A_277 : i32
      %add3A_526 = arith.constant 12 : i32
      %add3A_527 = arith.addi %mul3A_525, %add3A_526 : i32
      %add3A_528 = arith.addi %mul3A_2, %add3A_527 : i32
      %dma_wait3A_529 = arith.constant 1 : i32
      %dma_wait3A_530 = arith.constant 0 : i32
      %dma_wait3A_531 = tpu.memref_slice %arg4[%add3A_528, %dma_wait3A_530] : memref<8192x12288xf32, #tpu.memory_space<hbm>> -> memref<4x12288xf32, #tpu.memory_space<hbm>>
      %dma_wait3A_532 = arith.constant 0 : i32
      %dma_wait3A_533 = arith.constant 0 : i32
      %dma_wait3A_534 = tpu.memref_slice %arg6[%arg1, %dma_wait3A_529, %dma_wait3A_532, %dma_wait3A_533] : memref<16x2x4x12288xf32, #tpu.memory_space<vmem_shared>> -> memref<1x1x4x12288xf32, #tpu.memory_space<vmem_shared>>
      %dma_wait3A_535 = tpu.memref_squeeze %dma_wait3A_534 : memref<1x1x4x12288xf32, #tpu.memory_space<vmem_shared>> -> memref<4x12288xf32, #tpu.memory_space<vmem_shared>>
      tpu.wait_dma2 semaphore(%arg10 : memref<!tpu.dma_semaphore, #tpu.memory_space<semaphore_mem>>) src(%dma_wait3A_535 : memref<4x12288xf32, #tpu.memory_space<vmem_shared>>) dst(%dma_wait3A_531 : memref<4x12288xf32, #tpu.memory_space<hbm>>)
      %slice3A_536 = vector.extract_strided_slice %get3A_287 {offsets = [4], sizes = [1], strides = [1]} : vector<16xi32> to vector<1xi32>
      %squeeze3A_537 = vector.extract %slice3A_536[0] : i32 from vector<1xi32>
      %dma_start3A_538 = arith.constant 1 : i32
      %dma_start3A_539 = arith.constant 0 : i32
      %dma_start3A_540 = arith.constant 0 : i32
      %dma_start3A_541 = tpu.memref_slice %arg6[%arg1, %dma_start3A_538, %dma_start3A_539, %dma_start3A_540] : memref<16x2x4x12288xf32, #tpu.memory_space<vmem_shared>> -> memref<1x1x1x12288xf32, #tpu.memory_space<vmem_shared>>
      %dma_start3A_542 = tpu.memref_squeeze %dma_start3A_541 : memref<1x1x1x12288xf32, #tpu.memory_space<vmem_shared>> -> memref<12288xf32, #tpu.memory_space<vmem_shared>>
      %dma_start3A_543 = arith.constant 0 : i32
      %dma_start3A_544 = tpu.memref_slice %arg3[%squeeze3A_537, %dma_start3A_543] : memref<150528x12288xf32, #tpu.memory_space<hbm>> -> memref<1x12288xf32, #tpu.memory_space<hbm>>
      %dma_start3A_545 = tpu.memref_squeeze %dma_start3A_544 : memref<1x12288xf32, #tpu.memory_space<hbm>> -> memref<12288xf32, #tpu.memory_space<hbm>>
      tpu.enqueue_dma source(%dma_start3A_545 : memref<12288xf32, #tpu.memory_space<hbm>>) target(%dma_start3A_542 : memref<12288xf32, #tpu.memory_space<vmem_shared>>) target_semaphore(%arg8 : memref<!tpu.dma_semaphore, #tpu.memory_space<semaphore_mem>>)
      %slice3A_546 = vector.extract_strided_slice %get3A_287 {offsets = [5], sizes = [1], strides = [1]} : vector<16xi32> to vector<1xi32>
      %squeeze3A_547 = vector.extract %slice3A_546[0] : i32 from vector<1xi32>
      %dma_start3A_548 = arith.constant 1 : i32
      %dma_start3A_549 = arith.constant 1 : i32
      %dma_start3A_550 = arith.constant 0 : i32
      %dma_start3A_551 = tpu.memref_slice %arg6[%arg1, %dma_start3A_548, %dma_start3A_549, %dma_start3A_550] : memref<16x2x4x12288xf32, #tpu.memory_space<vmem_shared>> -> memref<1x1x1x12288xf32, #tpu.memory_space<vmem_shared>>
      %dma_start3A_552 = tpu.memref_squeeze %dma_start3A_551 : memref<1x1x1x12288xf32, #tpu.memory_space<vmem_shared>> -> memref<12288xf32, #tpu.memory_space<vmem_shared>>
      %dma_start3A_553 = arith.constant 0 : i32
      %dma_start3A_554 = tpu.memref_slice %arg3[%squeeze3A_547, %dma_start3A_553] : memref<150528x12288xf32, #tpu.memory_space<hbm>> -> memref<1x12288xf32, #tpu.memory_space<hbm>>
      %dma_start3A_555 = tpu.memref_squeeze %dma_start3A_554 : memref<1x12288xf32, #tpu.memory_space<hbm>> -> memref<12288xf32, #tpu.memory_space<hbm>>
      tpu.enqueue_dma source(%dma_start3A_555 : memref<12288xf32, #tpu.memory_space<hbm>>) target(%dma_start3A_552 : memref<12288xf32, #tpu.memory_space<vmem_shared>>) target_semaphore(%arg8 : memref<!tpu.dma_semaphore, #tpu.memory_space<semaphore_mem>>)
      %slice3A_556 = vector.extract_strided_slice %get3A_287 {offsets = [6], sizes = [1], strides = [1]} : vector<16xi32> to vector<1xi32>
      %squeeze3A_557 = vector.extract %slice3A_556[0] : i32 from vector<1xi32>
      %dma_start3A_558 = arith.constant 1 : i32
      %dma_start3A_559 = arith.constant 2 : i32
      %dma_start3A_560 = arith.constant 0 : i32
      %dma_start3A_561 = tpu.memref_slice %arg6[%arg1, %dma_start3A_558, %dma_start3A_559, %dma_start3A_560] : memref<16x2x4x12288xf32, #tpu.memory_space<vmem_shared>> -> memref<1x1x1x12288xf32, #tpu.memory_space<vmem_shared>>
      %dma_start3A_562 = tpu.memref_squeeze %dma_start3A_561 : memref<1x1x1x12288xf32, #tpu.memory_space<vmem_shared>> -> memref<12288xf32, #tpu.memory_space<vmem_shared>>
      %dma_start3A_563 = arith.constant 0 : i32
      %dma_start3A_564 = tpu.memref_slice %arg3[%squeeze3A_557, %dma_start3A_563] : memref<150528x12288xf32, #tpu.memory_space<hbm>> -> memref<1x12288xf32, #tpu.memory_space<hbm>>
      %dma_start3A_565 = tpu.memref_squeeze %dma_start3A_564 : memref<1x12288xf32, #tpu.memory_space<hbm>> -> memref<12288xf32, #tpu.memory_space<hbm>>
      tpu.enqueue_dma source(%dma_start3A_565 : memref<12288xf32, #tpu.memory_space<hbm>>) target(%dma_start3A_562 : memref<12288xf32, #tpu.memory_space<vmem_shared>>) target_semaphore(%arg8 : memref<!tpu.dma_semaphore, #tpu.memory_space<semaphore_mem>>)
      %slice3A_566 = vector.extract_strided_slice %get3A_287 {offsets = [7], sizes = [1], strides = [1]} : vector<16xi32> to vector<1xi32>
      %squeeze3A_567 = vector.extract %slice3A_566[0] : i32 from vector<1xi32>
      %dma_start3A_568 = arith.constant 1 : i32
      %dma_start3A_569 = arith.constant 3 : i32
      %dma_start3A_570 = arith.constant 0 : i32
      %dma_start3A_571 = tpu.memref_slice %arg6[%arg1, %dma_start3A_568, %dma_start3A_569, %dma_start3A_570] : memref<16x2x4x12288xf32, #tpu.memory_space<vmem_shared>> -> memref<1x1x1x12288xf32, #tpu.memory_space<vmem_shared>>
      %dma_start3A_572 = tpu.memref_squeeze %dma_start3A_571 : memref<1x1x1x12288xf32, #tpu.memory_space<vmem_shared>> -> memref<12288xf32, #tpu.memory_space<vmem_shared>>
      %dma_start3A_573 = arith.constant 0 : i32
      %dma_start3A_574 = tpu.memref_slice %arg3[%squeeze3A_567, %dma_start3A_573] : memref<150528x12288xf32, #tpu.memory_space<hbm>> -> memref<1x12288xf32, #tpu.memory_space<hbm>>
      %dma_start3A_575 = tpu.memref_squeeze %dma_start3A_574 : memref<1x12288xf32, #tpu.memory_space<hbm>> -> memref<12288xf32, #tpu.memory_space<hbm>>
      tpu.enqueue_dma source(%dma_start3A_575 : memref<12288xf32, #tpu.memory_space<hbm>>) target(%dma_start3A_572 : memref<12288xf32, #tpu.memory_space<vmem_shared>>) target_semaphore(%arg8 : memref<!tpu.dma_semaphore, #tpu.memory_space<semaphore_mem>>)
    }
    %scan3A_88 = arith.constant 15 : i32
    %get3A_89 = arith.constant 15 : i32
    %get3A_90 = arith.index_cast %get3A_89 : i32 to index
    %get3A_91 = arith.constant 0 : index
    %get3A_92 = tpu.vector_load %arg5[%get3A_90, %get3A_91] {strides = array<i32>} : memref<16x16xi32, #tpu.memory_space<vmem>>, vector<1x16xi32>,
    %get3A_93 = vector.shape_cast %get3A_92 : vector<1x16xi32> to vector<16xi32>
    %dma_wait3A = arith.constant 0 : i32
    %dma_wait3A_94 = arith.constant 0 : i32
    %dma_wait3A_95 = arith.constant 0 : i32
    %dma_wait3A_96 = tpu.memref_slice %arg6[%arg1, %dma_wait3A, %dma_wait3A_94, %dma_wait3A_95] : memref<16x2x4x12288xf32, #tpu.memory_space<vmem_shared>> -> memref<1x1x4x12288xf32, #tpu.memory_space<vmem_shared>>
    %dma_wait3A_97 = tpu.memref_squeeze %dma_wait3A_96 : memref<1x1x4x12288xf32, #tpu.memory_space<vmem_shared>> -> memref<4x12288xf32, #tpu.memory_space<vmem_shared>>
    %dma_wait3A_98 = arith.constant 0 : i32
    %dma_wait3A_99 = arith.constant 0 : i32
    %dma_wait3A_100 = tpu.memref_slice %arg3[%dma_wait3A_98, %dma_wait3A_99] : memref<150528x12288xf32, #tpu.memory_space<hbm>> -> memref<4x12288xf32, #tpu.memory_space<hbm>>
    tpu.wait_dma2 semaphore(%arg7 : memref<!tpu.dma_semaphore, #tpu.memory_space<semaphore_mem>>) src(%dma_wait3A_100 : memref<4x12288xf32, #tpu.memory_space<hbm>>) dst(%dma_wait3A_97 : memref<4x12288xf32, #tpu.memory_space<vmem_shared>>)
    %add3A_101 = arith.constant 240 : i32
    %add3A_102 = arith.addi %mul3A_2, %add3A_101 : i32
    %dma_start3A_103 = arith.constant 0 : i32
    %dma_start3A_104 = arith.constant 0 : i32
    %dma_start3A_105 = tpu.memref_slice %arg4[%add3A_102, %dma_start3A_104] : memref<8192x12288xf32, #tpu.memory_space<hbm>> -> memref<4x12288xf32, #tpu.memory_space<hbm>>
    %dma_start3A_106 = arith.constant 0 : i32
    %dma_start3A_107 = arith.constant 0 : i32
    %dma_start3A_108 = tpu.memref_slice %arg6[%arg1, %dma_start3A_103, %dma_start3A_106, %dma_start3A_107] : memref<16x2x4x12288xf32, #tpu.memory_space<vmem_shared>> -> memref<1x1x4x12288xf32, #tpu.memory_space<vmem_shared>>
    %dma_start3A_109 = tpu.memref_squeeze %dma_start3A_108 : memref<1x1x4x12288xf32, #tpu.memory_space<vmem_shared>> -> memref<4x12288xf32, #tpu.memory_space<vmem_shared>>
    tpu.enqueue_dma source(%dma_start3A_109 : memref<4x12288xf32, #tpu.memory_space<vmem_shared>>) target(%dma_start3A_105 : memref<4x12288xf32, #tpu.memory_space<hbm>>) target_semaphore(%arg9 : memref<!tpu.dma_semaphore, #tpu.memory_space<semaphore_mem>>)
    %dma_wait3A_110 = arith.constant 1 : i32
    %dma_wait3A_111 = arith.constant 0 : i32
    %dma_wait3A_112 = arith.constant 0 : i32
    %dma_wait3A_113 = tpu.memref_slice %arg6[%arg1, %dma_wait3A_110, %dma_wait3A_111, %dma_wait3A_112] : memref<16x2x4x12288xf32, #tpu.memory_space<vmem_shared>> -> memref<1x1x4x12288xf32, #tpu.memory_space<vmem_shared>>
    %dma_wait3A_114 = tpu.memref_squeeze %dma_wait3A_113 : memref<1x1x4x12288xf32, #tpu.memory_space<vmem_shared>> -> memref<4x12288xf32, #tpu.memory_space<vmem_shared>>
    %dma_wait3A_115 = arith.constant 0 : i32
    %dma_wait3A_116 = arith.constant 0 : i32
    %dma_wait3A_117 = tpu.memref_slice %arg3[%dma_wait3A_115, %dma_wait3A_116] : memref<150528x12288xf32, #tpu.memory_space<hbm>> -> memref<4x12288xf32, #tpu.memory_space<hbm>>
    tpu.wait_dma2 semaphore(%arg8 : memref<!tpu.dma_semaphore, #tpu.memory_space<semaphore_mem>>) src(%dma_wait3A_117 : memref<4x12288xf32, #tpu.memory_space<hbm>>) dst(%dma_wait3A_114 : memref<4x12288xf32, #tpu.memory_space<vmem_shared>>)
    %add3A_118 = arith.constant 244 : i32
    %add3A_119 = arith.addi %mul3A_2, %add3A_118 : i32
    %dma_start3A_120 = arith.constant 1 : i32
    %dma_start3A_121 = arith.constant 0 : i32
    %dma_start3A_122 = tpu.memref_slice %arg4[%add3A_119, %dma_start3A_121] : memref<8192x12288xf32, #tpu.memory_space<hbm>> -> memref<4x12288xf32, #tpu.memory_space<hbm>>
    %dma_start3A_123 = arith.constant 0 : i32
    %dma_start3A_124 = arith.constant 0 : i32
    %dma_start3A_125 = tpu.memref_slice %arg6[%arg1, %dma_start3A_120, %dma_start3A_123, %dma_start3A_124] : memref<16x2x4x12288xf32, #tpu.memory_space<vmem_shared>> -> memref<1x1x4x12288xf32, #tpu.memory_space<vmem_shared>>
    %dma_start3A_126 = tpu.memref_squeeze %dma_start3A_125 : memref<1x1x4x12288xf32, #tpu.memory_space<vmem_shared>> -> memref<4x12288xf32, #tpu.memory_space<vmem_shared>>
    tpu.enqueue_dma source(%dma_start3A_126 : memref<4x12288xf32, #tpu.memory_space<vmem_shared>>) target(%dma_start3A_122 : memref<4x12288xf32, #tpu.memory_space<hbm>>) target_semaphore(%arg10 : memref<!tpu.dma_semaphore, #tpu.memory_space<semaphore_mem>>)
    %add3A_127 = arith.constant 240 : i32
    %add3A_128 = arith.addi %mul3A_2, %add3A_127 : i32
    %dma_wait3A_129 = arith.constant 0 : i32
    %dma_wait3A_130 = arith.constant 0 : i32
    %dma_wait3A_131 = tpu.memref_slice %arg4[%add3A_128, %dma_wait3A_130] : memref<8192x12288xf32, #tpu.memory_space<hbm>> -> memref<4x12288xf32, #tpu.memory_space<hbm>>
    %dma_wait3A_132 = arith.constant 0 : i32
    %dma_wait3A_133 = arith.constant 0 : i32
    %dma_wait3A_134 = tpu.memref_slice %arg6[%arg1, %dma_wait3A_129, %dma_wait3A_132, %dma_wait3A_133] : memref<16x2x4x12288xf32, #tpu.memory_space<vmem_shared>> -> memref<1x1x4x12288xf32, #tpu.memory_space<vmem_shared>>
    %dma_wait3A_135 = tpu.memref_squeeze %dma_wait3A_134 : memref<1x1x4x12288xf32, #tpu.memory_space<vmem_shared>> -> memref<4x12288xf32, #tpu.memory_space<vmem_shared>>
    tpu.wait_dma2 semaphore(%arg9 : memref<!tpu.dma_semaphore, #tpu.memory_space<semaphore_mem>>) src(%dma_wait3A_135 : memref<4x12288xf32, #tpu.memory_space<vmem_shared>>) dst(%dma_wait3A_131 : memref<4x12288xf32, #tpu.memory_space<hbm>>)
    %slice3A_136 = vector.extract_strided_slice %get3A_93 {offsets = [8], sizes = [1], strides = [1]} : vector<16xi32> to vector<1xi32>
    %squeeze3A_137 = vector.extract %slice3A_136[0] : i32 from vector<1xi32>
    %dma_start3A_138 = arith.constant 0 : i32
    %dma_start3A_139 = arith.constant 0 : i32
    %dma_start3A_140 = arith.constant 0 : i32
    %dma_start3A_141 = tpu.memref_slice %arg6[%arg1, %dma_start3A_138, %dma_start3A_139, %dma_start3A_140] : memref<16x2x4x12288xf32, #tpu.memory_space<vmem_shared>> -> memref<1x1x1x12288xf32, #tpu.memory_space<vmem_shared>>
    %dma_start3A_142 = tpu.memref_squeeze %dma_start3A_141 : memref<1x1x1x12288xf32, #tpu.memory_space<vmem_shared>> -> memref<12288xf32, #tpu.memory_space<vmem_shared>>
    %dma_start3A_143 = arith.constant 0 : i32
    %dma_start3A_144 = tpu.memref_slice %arg3[%squeeze3A_137, %dma_start3A_143] : memref<150528x12288xf32, #tpu.memory_space<hbm>> -> memref<1x12288xf32, #tpu.memory_space<hbm>>
    %dma_start3A_145 = tpu.memref_squeeze %dma_start3A_144 : memref<1x12288xf32, #tpu.memory_space<hbm>> -> memref<12288xf32, #tpu.memory_space<hbm>>
    tpu.enqueue_dma source(%dma_start3A_145 : memref<12288xf32, #tpu.memory_space<hbm>>) target(%dma_start3A_142 : memref<12288xf32, #tpu.memory_space<vmem_shared>>) target_semaphore(%arg7 : memref<!tpu.dma_semaphore, #tpu.memory_space<semaphore_mem>>)
    %slice3A_146 = vector.extract_strided_slice %get3A_93 {offsets = [9], sizes = [1], strides = [1]} : vector<16xi32> to vector<1xi32>
    %squeeze3A_147 = vector.extract %slice3A_146[0] : i32 from vector<1xi32>
    %dma_start3A_148 = arith.constant 0 : i32
    %dma_start3A_149 = arith.constant 1 : i32
    %dma_start3A_150 = arith.constant 0 : i32
    %dma_start3A_151 = tpu.memref_slice %arg6[%arg1, %dma_start3A_148, %dma_start3A_149, %dma_start3A_150] : memref<16x2x4x12288xf32, #tpu.memory_space<vmem_shared>> -> memref<1x1x1x12288xf32, #tpu.memory_space<vmem_shared>>
    %dma_start3A_152 = tpu.memref_squeeze %dma_start3A_151 : memref<1x1x1x12288xf32, #tpu.memory_space<vmem_shared>> -> memref<12288xf32, #tpu.memory_space<vmem_shared>>
    %dma_start3A_153 = arith.constant 0 : i32
    %dma_start3A_154 = tpu.memref_slice %arg3[%squeeze3A_147, %dma_start3A_153] : memref<150528x12288xf32, #tpu.memory_space<hbm>> -> memref<1x12288xf32, #tpu.memory_space<hbm>>
    %dma_start3A_155 = tpu.memref_squeeze %dma_start3A_154 : memref<1x12288xf32, #tpu.memory_space<hbm>> -> memref<12288xf32, #tpu.memory_space<hbm>>
    tpu.enqueue_dma source(%dma_start3A_155 : memref<12288xf32, #tpu.memory_space<hbm>>) target(%dma_start3A_152 : memref<12288xf32, #tpu.memory_space<vmem_shared>>) target_semaphore(%arg7 : memref<!tpu.dma_semaphore, #tpu.memory_space<semaphore_mem>>)
    %slice3A_156 = vector.extract_strided_slice %get3A_93 {offsets = [10], sizes = [1], strides = [1]} : vector<16xi32> to vector<1xi32>
    %squeeze3A_157 = vector.extract %slice3A_156[0] : i32 from vector<1xi32>
    %dma_start3A_158 = arith.constant 0 : i32
    %dma_start3A_159 = arith.constant 2 : i32
    %dma_start3A_160 = arith.constant 0 : i32
    %dma_start3A_161 = tpu.memref_slice %arg6[%arg1, %dma_start3A_158, %dma_start3A_159, %dma_start3A_160] : memref<16x2x4x12288xf32, #tpu.memory_space<vmem_shared>> -> memref<1x1x1x12288xf32, #tpu.memory_space<vmem_shared>>
    %dma_start3A_162 = tpu.memref_squeeze %dma_start3A_161 : memref<1x1x1x12288xf32, #tpu.memory_space<vmem_shared>> -> memref<12288xf32, #tpu.memory_space<vmem_shared>>
    %dma_start3A_163 = arith.constant 0 : i32
    %dma_start3A_164 = tpu.memref_slice %arg3[%squeeze3A_157, %dma_start3A_163] : memref<150528x12288xf32, #tpu.memory_space<hbm>> -> memref<1x12288xf32, #tpu.memory_space<hbm>>
    %dma_start3A_165 = tpu.memref_squeeze %dma_start3A_164 : memref<1x12288xf32, #tpu.memory_space<hbm>> -> memref<12288xf32, #tpu.memory_space<hbm>>
    tpu.enqueue_dma source(%dma_start3A_165 : memref<12288xf32, #tpu.memory_space<hbm>>) target(%dma_start3A_162 : memref<12288xf32, #tpu.memory_space<vmem_shared>>) target_semaphore(%arg7 : memref<!tpu.dma_semaphore, #tpu.memory_space<semaphore_mem>>)
    %slice3A_166 = vector.extract_strided_slice %get3A_93 {offsets = [11], sizes = [1], strides = [1]} : vector<16xi32> to vector<1xi32>
    %squeeze3A_167 = vector.extract %slice3A_166[0] : i32 from vector<1xi32>
    %dma_start3A_168 = arith.constant 0 : i32
    %dma_start3A_169 = arith.constant 3 : i32
    %dma_start3A_170 = arith.constant 0 : i32
    %dma_start3A_171 = tpu.memref_slice %arg6[%arg1, %dma_start3A_168, %dma_start3A_169, %dma_start3A_170] : memref<16x2x4x12288xf32, #tpu.memory_space<vmem_shared>> -> memref<1x1x1x12288xf32, #tpu.memory_space<vmem_shared>>
    %dma_start3A_172 = tpu.memref_squeeze %dma_start3A_171 : memref<1x1x1x12288xf32, #tpu.memory_space<vmem_shared>> -> memref<12288xf32, #tpu.memory_space<vmem_shared>>
    %dma_start3A_173 = arith.constant 0 : i32
    %dma_start3A_174 = tpu.memref_slice %arg3[%squeeze3A_167, %dma_start3A_173] : memref<150528x12288xf32, #tpu.memory_space<hbm>> -> memref<1x12288xf32, #tpu.memory_space<hbm>>
    %dma_start3A_175 = tpu.memref_squeeze %dma_start3A_174 : memref<1x12288xf32, #tpu.memory_space<hbm>> -> memref<12288xf32, #tpu.memory_space<hbm>>
    tpu.enqueue_dma source(%dma_start3A_175 : memref<12288xf32, #tpu.memory_space<hbm>>) target(%dma_start3A_172 : memref<12288xf32, #tpu.memory_space<vmem_shared>>) target_semaphore(%arg7 : memref<!tpu.dma_semaphore, #tpu.memory_space<semaphore_mem>>)
    %add3A_176 = arith.constant 244 : i32
    %add3A_177 = arith.addi %mul3A_2, %add3A_176 : i32
    %dma_wait3A_178 = arith.constant 1 : i32
    %dma_wait3A_179 = arith.constant 0 : i32
    %dma_wait3A_180 = tpu.memref_slice %arg4[%add3A_177, %dma_wait3A_179] : memref<8192x12288xf32, #tpu.memory_space<hbm>> -> memref<4x12288xf32, #tpu.memory_space<hbm>>
    %dma_wait3A_181 = arith.constant 0 : i32
    %dma_wait3A_182 = arith.constant 0 : i32
    %dma_wait3A_183 = tpu.memref_slice %arg6[%arg1, %dma_wait3A_178, %dma_wait3A_181, %dma_wait3A_182] : memref<16x2x4x12288xf32, #tpu.memory_space<vmem_shared>> -> memref<1x1x4x12288xf32, #tpu.memory_space<vmem_shared>>
    %dma_wait3A_184 = tpu.memref_squeeze %dma_wait3A_183 : memref<1x1x4x12288xf32, #tpu.memory_space<vmem_shared>> -> memref<4x12288xf32, #tpu.memory_space<vmem_shared>>
    tpu.wait_dma2 semaphore(%arg10 : memref<!tpu.dma_semaphore, #tpu.memory_space<semaphore_mem>>) src(%dma_wait3A_184 : memref<4x12288xf32, #tpu.memory_space<vmem_shared>>) dst(%dma_wait3A_180 : memref<4x12288xf32, #tpu.memory_space<hbm>>)
    %slice3A_185 = vector.extract_strided_slice %get3A_93 {offsets = [12], sizes = [1], strides = [1]} : vector<16xi32> to vector<1xi32>
    %squeeze3A_186 = vector.extract %slice3A_185[0] : i32 from vector<1xi32>
    %dma_start3A_187 = arith.constant 1 : i32
    %dma_start3A_188 = arith.constant 0 : i32
    %dma_start3A_189 = arith.constant 0 : i32
    %dma_start3A_190 = tpu.memref_slice %arg6[%arg1, %dma_start3A_187, %dma_start3A_188, %dma_start3A_189] : memref<16x2x4x12288xf32, #tpu.memory_space<vmem_shared>> -> memref<1x1x1x12288xf32, #tpu.memory_space<vmem_shared>>
    %dma_start3A_191 = tpu.memref_squeeze %dma_start3A_190 : memref<1x1x1x12288xf32, #tpu.memory_space<vmem_shared>> -> memref<12288xf32, #tpu.memory_space<vmem_shared>>
    %dma_start3A_192 = arith.constant 0 : i32
    %dma_start3A_193 = tpu.memref_slice %arg3[%squeeze3A_186, %dma_start3A_192] : memref<150528x12288xf32, #tpu.memory_space<hbm>> -> memref<1x12288xf32, #tpu.memory_space<hbm>>
    %dma_start3A_194 = tpu.memref_squeeze %dma_start3A_193 : memref<1x12288xf32, #tpu.memory_space<hbm>> -> memref<12288xf32, #tpu.memory_space<hbm>>
    tpu.enqueue_dma source(%dma_start3A_194 : memref<12288xf32, #tpu.memory_space<hbm>>) target(%dma_start3A_191 : memref<12288xf32, #tpu.memory_space<vmem_shared>>) target_semaphore(%arg8 : memref<!tpu.dma_semaphore, #tpu.memory_space<semaphore_mem>>)
    %slice3A_195 = vector.extract_strided_slice %get3A_93 {offsets = [13], sizes = [1], strides = [1]} : vector<16xi32> to vector<1xi32>
    %squeeze3A_196 = vector.extract %slice3A_195[0] : i32 from vector<1xi32>
    %dma_start3A_197 = arith.constant 1 : i32
    %dma_start3A_198 = arith.constant 1 : i32
    %dma_start3A_199 = arith.constant 0 : i32
    %dma_start3A_200 = tpu.memref_slice %arg6[%arg1, %dma_start3A_197, %dma_start3A_198, %dma_start3A_199] : memref<16x2x4x12288xf32, #tpu.memory_space<vmem_shared>> -> memref<1x1x1x12288xf32, #tpu.memory_space<vmem_shared>>
    %dma_start3A_201 = tpu.memref_squeeze %dma_start3A_200 : memref<1x1x1x12288xf32, #tpu.memory_space<vmem_shared>> -> memref<12288xf32, #tpu.memory_space<vmem_shared>>
    %dma_start3A_202 = arith.constant 0 : i32
    %dma_start3A_203 = tpu.memref_slice %arg3[%squeeze3A_196, %dma_start3A_202] : memref<150528x12288xf32, #tpu.memory_space<hbm>> -> memref<1x12288xf32, #tpu.memory_space<hbm>>
    %dma_start3A_204 = tpu.memref_squeeze %dma_start3A_203 : memref<1x12288xf32, #tpu.memory_space<hbm>> -> memref<12288xf32, #tpu.memory_space<hbm>>
    tpu.enqueue_dma source(%dma_start3A_204 : memref<12288xf32, #tpu.memory_space<hbm>>) target(%dma_start3A_201 : memref<12288xf32, #tpu.memory_space<vmem_shared>>) target_semaphore(%arg8 : memref<!tpu.dma_semaphore, #tpu.memory_space<semaphore_mem>>)
    %slice3A_205 = vector.extract_strided_slice %get3A_93 {offsets = [14], sizes = [1], strides = [1]} : vector<16xi32> to vector<1xi32>
    %squeeze3A_206 = vector.extract %slice3A_205[0] : i32 from vector<1xi32>
    %dma_start3A_207 = arith.constant 1 : i32
    %dma_start3A_208 = arith.constant 2 : i32
    %dma_start3A_209 = arith.constant 0 : i32
    %dma_start3A_210 = tpu.memref_slice %arg6[%arg1, %dma_start3A_207, %dma_start3A_208, %dma_start3A_209] : memref<16x2x4x12288xf32, #tpu.memory_space<vmem_shared>> -> memref<1x1x1x12288xf32, #tpu.memory_space<vmem_shared>>
    %dma_start3A_211 = tpu.memref_squeeze %dma_start3A_210 : memref<1x1x1x12288xf32, #tpu.memory_space<vmem_shared>> -> memref<12288xf32, #tpu.memory_space<vmem_shared>>
    %dma_start3A_212 = arith.constant 0 : i32
    %dma_start3A_213 = tpu.memref_slice %arg3[%squeeze3A_206, %dma_start3A_212] : memref<150528x12288xf32, #tpu.memory_space<hbm>> -> memref<1x12288xf32, #tpu.memory_space<hbm>>
    %dma_start3A_214 = tpu.memref_squeeze %dma_start3A_213 : memref<1x12288xf32, #tpu.memory_space<hbm>> -> memref<12288xf32, #tpu.memory_space<hbm>>
    tpu.enqueue_dma source(%dma_start3A_214 : memref<12288xf32, #tpu.memory_space<hbm>>) target(%dma_start3A_211 : memref<12288xf32, #tpu.memory_space<vmem_shared>>) target_semaphore(%arg8 : memref<!tpu.dma_semaphore, #tpu.memory_space<semaphore_mem>>)
    %slice3A_215 = vector.extract_strided_slice %get3A_93 {offsets = [15], sizes = [1], strides = [1]} : vector<16xi32> to vector<1xi32>
    %squeeze3A_216 = vector.extract %slice3A_215[0] : i32 from vector<1xi32>
    %dma_start3A_217 = arith.constant 1 : i32
    %dma_start3A_218 = arith.constant 3 : i32
    %dma_start3A_219 = arith.constant 0 : i32
    %dma_start3A_220 = tpu.memref_slice %arg6[%arg1, %dma_start3A_217, %dma_start3A_218, %dma_start3A_219] : memref<16x2x4x12288xf32, #tpu.memory_space<vmem_shared>> -> memref<1x1x1x12288xf32, #tpu.memory_space<vmem_shared>>
    %dma_start3A_221 = tpu.memref_squeeze %dma_start3A_220 : memref<1x1x1x12288xf32, #tpu.memory_space<vmem_shared>> -> memref<12288xf32, #tpu.memory_space<vmem_shared>>
    %dma_start3A_222 = arith.constant 0 : i32
    %dma_start3A_223 = tpu.memref_slice %arg3[%squeeze3A_216, %dma_start3A_222] : memref<150528x12288xf32, #tpu.memory_space<hbm>> -> memref<1x12288xf32, #tpu.memory_space<hbm>>
    %dma_start3A_224 = tpu.memref_squeeze %dma_start3A_223 : memref<1x12288xf32, #tpu.memory_space<hbm>> -> memref<12288xf32, #tpu.memory_space<hbm>>
    tpu.enqueue_dma source(%dma_start3A_224 : memref<12288xf32, #tpu.memory_space<hbm>>) target(%dma_start3A_221 : memref<12288xf32, #tpu.memory_space<vmem_shared>>) target_semaphore(%arg8 : memref<!tpu.dma_semaphore, #tpu.memory_space<semaphore_mem>>)
    %dma_wait3A_225 = arith.constant 0 : i32
    %dma_wait3A_226 = arith.constant 0 : i32
    %dma_wait3A_227 = arith.constant 0 : i32
    %dma_wait3A_228 = tpu.memref_slice %arg6[%arg1, %dma_wait3A_225, %dma_wait3A_226, %dma_wait3A_227] : memref<16x2x4x12288xf32, #tpu.memory_space<vmem_shared>> -> memref<1x1x4x12288xf32, #tpu.memory_space<vmem_shared>>
    %dma_wait3A_229 = tpu.memref_squeeze %dma_wait3A_228 : memref<1x1x4x12288xf32, #tpu.memory_space<vmem_shared>> -> memref<4x12288xf32, #tpu.memory_space<vmem_shared>>
    %dma_wait3A_230 = arith.constant 0 : i32
    %dma_wait3A_231 = arith.constant 0 : i32
    %dma_wait3A_232 = tpu.memref_slice %arg3[%dma_wait3A_230, %dma_wait3A_231] : memref<150528x12288xf32, #tpu.memory_space<hbm>> -> memref<4x12288xf32, #tpu.memory_space<hbm>>
    tpu.wait_dma2 semaphore(%arg7 : memref<!tpu.dma_semaphore, #tpu.memory_space<semaphore_mem>>) src(%dma_wait3A_232 : memref<4x12288xf32, #tpu.memory_space<hbm>>) dst(%dma_wait3A_229 : memref<4x12288xf32, #tpu.memory_space<vmem_shared>>)
    %add3A_233 = arith.constant 248 : i32
    %add3A_234 = arith.addi %mul3A_2, %add3A_233 : i32
    %dma_start3A_235 = arith.constant 0 : i32
    %dma_start3A_236 = arith.constant 0 : i32
    %dma_start3A_237 = tpu.memref_slice %arg4[%add3A_234, %dma_start3A_236] : memref<8192x12288xf32, #tpu.memory_space<hbm>> -> memref<4x12288xf32, #tpu.memory_space<hbm>>
    %dma_start3A_238 = arith.constant 0 : i32
    %dma_start3A_239 = arith.constant 0 : i32
    %dma_start3A_240 = tpu.memref_slice %arg6[%arg1, %dma_start3A_235, %dma_start3A_238, %dma_start3A_239] : memref<16x2x4x12288xf32, #tpu.memory_space<vmem_shared>> -> memref<1x1x4x12288xf32, #tpu.memory_space<vmem_shared>>
    %dma_start3A_241 = tpu.memref_squeeze %dma_start3A_240 : memref<1x1x4x12288xf32, #tpu.memory_space<vmem_shared>> -> memref<4x12288xf32, #tpu.memory_space<vmem_shared>>
    tpu.enqueue_dma source(%dma_start3A_241 : memref<4x12288xf32, #tpu.memory_space<vmem_shared>>) target(%dma_start3A_237 : memref<4x12288xf32, #tpu.memory_space<hbm>>) target_semaphore(%arg9 : memref<!tpu.dma_semaphore, #tpu.memory_space<semaphore_mem>>)
    %dma_wait3A_242 = arith.constant 1 : i32
    %dma_wait3A_243 = arith.constant 0 : i32
    %dma_wait3A_244 = arith.constant 0 : i32
    %dma_wait3A_245 = tpu.memref_slice %arg6[%arg1, %dma_wait3A_242, %dma_wait3A_243, %dma_wait3A_244] : memref<16x2x4x12288xf32, #tpu.memory_space<vmem_shared>> -> memref<1x1x4x12288xf32, #tpu.memory_space<vmem_shared>>
    %dma_wait3A_246 = tpu.memref_squeeze %dma_wait3A_245 : memref<1x1x4x12288xf32, #tpu.memory_space<vmem_shared>> -> memref<4x12288xf32, #tpu.memory_space<vmem_shared>>
    %dma_wait3A_247 = arith.constant 0 : i32
    %dma_wait3A_248 = arith.constant 0 : i32
    %dma_wait3A_249 = tpu.memref_slice %arg3[%dma_wait3A_247, %dma_wait3A_248] : memref<150528x12288xf32, #tpu.memory_space<hbm>> -> memref<4x12288xf32, #tpu.memory_space<hbm>>
    tpu.wait_dma2 semaphore(%arg8 : memref<!tpu.dma_semaphore, #tpu.memory_space<semaphore_mem>>) src(%dma_wait3A_249 : memref<4x12288xf32, #tpu.memory_space<hbm>>) dst(%dma_wait3A_246 : memref<4x12288xf32, #tpu.memory_space<vmem_shared>>)
    %add3A_250 = arith.constant 252 : i32
    %add3A_251 = arith.addi %mul3A_2, %add3A_250 : i32
    %dma_start3A_252 = arith.constant 1 : i32
    %dma_start3A_253 = arith.constant 0 : i32
    %dma_start3A_254 = tpu.memref_slice %arg4[%add3A_251, %dma_start3A_253] : memref<8192x12288xf32, #tpu.memory_space<hbm>> -> memref<4x12288xf32, #tpu.memory_space<hbm>>
    %dma_start3A_255 = arith.constant 0 : i32
    %dma_start3A_256 = arith.constant 0 : i32
    %dma_start3A_257 = tpu.memref_slice %arg6[%arg1, %dma_start3A_252, %dma_start3A_255, %dma_start3A_256] : memref<16x2x4x12288xf32, #tpu.memory_space<vmem_shared>> -> memref<1x1x4x12288xf32, #tpu.memory_space<vmem_shared>>
    %dma_start3A_258 = tpu.memref_squeeze %dma_start3A_257 : memref<1x1x4x12288xf32, #tpu.memory_space<vmem_shared>> -> memref<4x12288xf32, #tpu.memory_space<vmem_shared>>
    tpu.enqueue_dma source(%dma_start3A_258 : memref<4x12288xf32, #tpu.memory_space<vmem_shared>>) target(%dma_start3A_254 : memref<4x12288xf32, #tpu.memory_space<hbm>>) target_semaphore(%arg10 : memref<!tpu.dma_semaphore, #tpu.memory_space<semaphore_mem>>)
    %add3A_259 = arith.constant 248 : i32
    %add3A_260 = arith.addi %mul3A_2, %add3A_259 : i32
    %dma_wait3A_261 = arith.constant 0 : i32
    %dma_wait3A_262 = arith.constant 0 : i32
    %dma_wait3A_263 = tpu.memref_slice %arg4[%add3A_260, %dma_wait3A_262] : memref<8192x12288xf32, #tpu.memory_space<hbm>> -> memref<4x12288xf32, #tpu.memory_space<hbm>>
    %dma_wait3A_264 = arith.constant 0 : i32
    %dma_wait3A_265 = arith.constant 0 : i32
    %dma_wait3A_266 = tpu.memref_slice %arg6[%arg1, %dma_wait3A_261, %dma_wait3A_264, %dma_wait3A_265] : memref<16x2x4x12288xf32, #tpu.memory_space<vmem_shared>> -> memref<1x1x4x12288xf32, #tpu.memory_space<vmem_shared>>
    %dma_wait3A_267 = tpu.memref_squeeze %dma_wait3A_266 : memref<1x1x4x12288xf32, #tpu.memory_space<vmem_shared>> -> memref<4x12288xf32, #tpu.memory_space<vmem_shared>>
    tpu.wait_dma2 semaphore(%arg9 : memref<!tpu.dma_semaphore, #tpu.memory_space<semaphore_mem>>) src(%dma_wait3A_267 : memref<4x12288xf32, #tpu.memory_space<vmem_shared>>) dst(%dma_wait3A_263 : memref<4x12288xf32, #tpu.memory_space<hbm>>)
    %add3A_268 = arith.constant 252 : i32
    %add3A_269 = arith.addi %mul3A_2, %add3A_268 : i32
    %dma_wait3A_270 = arith.constant 1 : i32
    %dma_wait3A_271 = arith.constant 0 : i32
    %dma_wait3A_272 = tpu.memref_slice %arg4[%add3A_269, %dma_wait3A_271] : memref<8192x12288xf32, #tpu.memory_space<hbm>> -> memref<4x12288xf32, #tpu.memory_space<hbm>>
    %dma_wait3A_273 = arith.constant 0 : i32
    %dma_wait3A_274 = arith.constant 0 : i32
    %dma_wait3A_275 = tpu.memref_slice %arg6[%arg1, %dma_wait3A_270, %dma_wait3A_273, %dma_wait3A_274] : memref<16x2x4x12288xf32, #tpu.memory_space<vmem_shared>> -> memref<1x1x4x12288xf32, #tpu.memory_space<vmem_shared>>
    %dma_wait3A_276 = tpu.memref_squeeze %dma_wait3A_275 : memref<1x1x4x12288xf32, #tpu.memory_space<vmem_shared>> -> memref<4x12288xf32, #tpu.memory_space<vmem_shared>>
    tpu.wait_dma2 semaphore(%arg10 : memref<!tpu.dma_semaphore, #tpu.memory_space<semaphore_mem>>) src(%dma_wait3A_276 : memref<4x12288xf32, #tpu.memory_space<vmem_shared>>) dst(%dma_wait3A_272 : memref<4x12288xf32, #tpu.memory_space<hbm>>)
    return
  }
}

</mosaic_0001>

<sc_bundles>
// kernel: kernel.3.cloned.1.call-start
scs
__scs_entry_jumppad:
0x0: {  	(pc) =	sbr.rel $0x88, $3  }
0x1: {  	(tag) =	ssettag $0x0;
	lr =	simm.s32 $0x1  }
0x2: {  	[smem:$0x3F9F] =	sst lr;
	_ =	strace $0xD0000000  }
0x3: {  	_ = 	snop  }
0x4: {  	_ = 	snop  }
0x5: {  	_ = 	snop  }
0x6: {  	_ = 	snop  }
0x7: {  	_ = 	snop  }
__scs_overlays_trampoline_lowered:
0x8: {  	[smem:$0x3FAE] =	sst s0  }
0x9: {  	[smem:$0x3FAF] =	sst s1  }
0xa: {  	[smem:$0x3FB0] =	sst s2  }
0xb: {  	[smem:$0x3FB1] =	sst s3  }
0xc: {  	[smem:$0x3FB2] =	sst s4  }
0xd: {  	[smem:$0x3FB3] =	sst s5  }
0xe: {  	[smem:$0x3FB4] =	sst s6  }
0xf: {  	[smem:$0x3FB5] =	sst s7  }
0x10: {  	[smem:$0x3FB6] =	sst s8  }
0x11: {  	[smem:$0x3FB7] =	sst s9;
	s0 =	simm.s32 @!p0 $0x0  }
0x12: {  	s1 =	sld [smem:$0x3F9D];
	s0 =	simm.s32 @p0 $0x1  }
0x13: {  	[smem:$0x3FB8] =	sst s0;
	s0 =	simm.s32 @!p1 $0x0  }
0x14: {  	s2 =	sld [smem:$0x3F9C];
	s0 =	simm.s32 @p1 $0x1  }
0x15: {  	[smem:$0x3FB9] =	sst s0;
	s0 =	simm.s32 @!p2 $0x0  }
0x16: {  	s3 =	sld [smem:$0x3FDB];
	s0 =	simm.s32 @p2 $0x1  }
0x17: {  	s4 =	simm.s32 $0x1BF5;
	[smem:$0x3FBB] =	sst s0  }
0x18: {  	s0 =	sld [smem:$0x3F9E];
	_ =	swait.ge [sflag:s4], $0x0  }
0x19: {  	s7 =	sld [smem:$0x3F9F]  }
0x1a: {  	s8 =	sadd.s32 $0xFFFFE003, lr  }
0x1b: {  	s9 =	sadd.s32 $0xFFFFFEF7, lr;
	s5 =	simm.s32 $0xFFFFFFFF;
	p2 =	slt.u32 s8, $0xFFFFF086  }
0x1c: {  	p1 =	slt.u32 s9, $0xF7A;
	s5 =	simm.s32 @!p2 $0x0  }
0x1d: {  	s5 =	simm.s32 @p1 $0x1;
	p0 =	seq.s32 s7, s2  }
0x1e: {  	s7 =	smul.u32 @!p0 $0xF7A, s2;
	p2 =	seq.s32 @!p0 s5, $0x0  }
0x1f: {  	s9 =	smul.u32 $0xF7A, s1;
	s8 =	simm.s32 @!p0 $0x1BF5;
	p2 =	por !p2, p0  }
0x20: {  	[sflag:s8] =	ssyncset.s32 @!p0 $0xFFFFF086;
	s6 =	sadd.s32 @!p0 s3, s7;
	s7 =	simm.s32 @!p0 $0x108  }
0x21: {  	s3 =	sadd.s32 s3, s9;
	s6 =	sadd.s32 @!p0 $0x88, s6;
	s7 =	simm.s32 @p2 $0x1082  }
0x22: {  	[simem:s7], [sflag:s8] =	dma.local @!p0 [hbm:s6], $0xF7A  }
0x23: {  	s9 =	sor.u32 $0xD0000000, s2;
	s6 =	simm.s32 $0x108;
	_ =	swait.ge @!p0 [sflag:s8], $0x0  }
0x24: {  	s3 =	sadd.s32 $0x88, s3;
	s6 =	simm.s32 @!p1 $0x1082;
	[sflag:s4] =	ssyncset.s32 $0xFFFFF086  }
0x25: {  	[simem:s6], [sflag:s4] =	dma.local [hbm:s3], $0xF7A  }
0x26: {  	[smem:$0x3F9F] =	sst s1;
	(tag) =	ssettag s2;
	_ =	strace s9  }
0x27: {  	s1 =	sld [smem:$0x3FAF]  }
0x28: {  	s2 =	sld [smem:$0x3FB0]  }
0x29: {  	s4 =	sld [smem:$0x3FB2]  }
0x2a: {  	p0 =	seq.s32 s5, $0x0;
	s5 =	sld [smem:$0x3FB3]  }
0x2b: {  	s6 =	sld [smem:$0x3FB4]  }
0x2c: {  	s7 =	sld [smem:$0x3FB5]  }
0x2d: {  	s3 =	simm.s32 $0x108;
	s8 =	sld [smem:$0x3FB6]  }
0x2e: {  	s3 =	simm.s32 @!p0 $0x1082;
	s9 =	sld [smem:$0x3FB7]  }
0x2f: {  	lr =	sadd.s32 s0, s3;
	s0 =	sld [smem:$0x3FAE]  }
0x30: {  	s3 =	sld [smem:$0x3FB1]  }
0x31: {  	[smem:$0x3FBA] =	sst s10  }
0x32: {  	s10 =	sld [smem:$0x3FB8];
	_ =	sdelay $0x3  }
0x33: {  	p0 =	seq.s32 s10, $0x1;
	s10 =	sld [smem:$0x3FBA];
	_ =	sdelay $0x3  }
0x34: {  	[smem:$0x3FBA] =	sst s10  }
0x35: {  	s10 =	sld [smem:$0x3FB9];
	_ =	sdelay $0x3  }
0x36: {  	p1 =	seq.s32 s10, $0x1;
	s10 =	sld [smem:$0x3FBA];
	_ =	sdelay $0x3  }
0x37: {  	[smem:$0x3FBA] =	sst s10  }
0x38: {  	s10 =	sld [smem:$0x3FBB]  }
0x39: {  	_ = 	snop;
	(pc) =	sbr.ind lr, $3  }
0x3a: {  	_ = 	snop  }
0x3b: {  	_ = 	snop  }
0x3c: {  	p2 =	seq.s32 s10, $0x1;
	s10 =	sld [smem:$0x3FBA]  }
0x3d: {  	_ =	shalt  }
0x3e: {  	_ =	shalt  }
0x3f: {  	_ =	shalt  }
0x40: {  	_ =	shalt  }
0x41: {  	_ =	shalt  }
0x42: {  	_ =	shalt  }
0x43: {  	_ =	shalt  }
0x44: {  	_ =	shalt  }
0x45: {  	_ =	shalt  }
0x46: {  	_ =	shalt  }
0x47: {  	_ =	shalt  }
0x48: {  	_ =	shalt  }
0x49: {  	_ =	shalt  }
0x4a: {  	_ =	shalt  }
0x4b: {  	_ =	shalt  }
0x4c: {  	_ =	shalt  }
0x4d: {  	_ =	shalt  }
0x4e: {  	_ =	shalt  }
0x4f: {  	_ =	shalt  }
0x50: {  	_ =	shalt  }
0x51: {  	_ =	shalt  }
0x52: {  	_ =	shalt  }
0x53: {  	_ =	shalt  }
0x54: {  	_ =	shalt  }
0x55: {  	_ =	shalt  }
0x56: {  	_ =	shalt  }
0x57: {  	_ =	shalt  }
0x58: {  	_ =	shalt  }
0x59: {  	_ =	shalt  }
0x5a: {  	_ =	shalt  }
0x5b: {  	_ =	shalt  }
0x5c: {  	_ =	shalt  }
0x5d: {  	_ =	shalt  }
0x5e: {  	_ =	shalt  }
0x5f: {  	_ =	shalt  }
0x60: {  	_ =	shalt  }
0x61: {  	_ =	shalt  }
0x62: {  	_ =	shalt  }
0x63: {  	_ =	shalt  }
0x64: {  	_ =	shalt  }
0x65: {  	_ =	shalt  }
0x66: {  	_ =	shalt  }
0x67: {  	_ =	shalt  }
0x68: {  	_ =	shalt  }
0x69: {  	_ =	shalt  }
0x6a: {  	_ =	shalt  }
0x6b: {  	_ =	shalt  }
0x6c: {  	_ =	shalt  }
0x6d: {  	_ =	shalt  }
0x6e: {  	_ =	shalt  }
0x6f: {  	_ =	shalt  }
0x70: {  	_ =	shalt  }
0x71: {  	_ =	shalt  }
0x72: {  	_ =	shalt  }
0x73: {  	_ =	shalt  }
0x74: {  	_ =	shalt  }
0x75: {  	_ =	shalt  }
0x76: {  	_ =	shalt  }
0x77: {  	_ =	shalt  }
0x78: {  	_ =	shalt  }
0x79: {  	_ =	shalt  }
0x7a: {  	_ =	shalt  }
0x7b: {  	_ =	shalt  }
0x7c: {  	_ =	shalt  }
0x7d: {  	_ =	shalt  }
0x7e: {  	_ =	shalt  }
0x7f: {  	_ =	shalt  }
0x80: {  	_ =	shalt  }
0x81: {  	_ =	shalt  }
0x82: {  	_ =	shalt  }
0x83: {  	_ =	shalt  }
0x84: {  	_ =	shalt  }
0x85: {  	_ =	shalt  }
0x86: {  	_ =	shalt  }
0x87: {  	_ =	shalt  }
.Lfunc_end0:
.L_simem_size_0:
called_computation_lowered:
.L_overlay_start_0:
0x88: {  	s2 =	sld [smem:$0x3FD9]  }
0x89: {  	s3 =	sld [smem:$0x3FFE];
	_ =	sdelay $0x1  }
0x8a: {  	s1 =	srdreg.scid  }
0x8b: {  	s0 =	sand.u32 $0x1, s1  }
0x8c: {  	s17 =	sshll.u32 s0, $0xA;
	s2 =	sadd.s32 s3, s2  }
0x8d: {  	s2 =	sadd.s32 s2, s17  }
0x8e: {  	[smem:$0x3FC6] =	sst s2  }
0x8f: {  	_ = 	snop  }
0x90: {  	s2 =	sld [smem:$0x3FC8]  }
0x91: {  	s18 =	sld [smem:$0x3FD0];
	(tm) =	ssettm $0x1  }
0x92: {  	s4 =	sld [smem:$0x3FFB];
	_ =	sdelay $0x3  }
0x93: {  	_ =	strace s4  }
0x94: {  	s4 =	sld [smem:$0x3FFC];
	_ =	sdelay $0x3  }
0x95: {  	_ =	strace s4  }
0x96: {  	s4 =	sld [smem:$0x3FFD];
	_ =	sdelay $0x3  }
0x97: {  	_ =	strace s4  }
0x98: {  	_ =	strace $0x8FFFFFFF  }
0x99: {  	s19 =	sld [smem:$0x3FDB];
	_ =	sdelay $0x1  }
0x9a: {  	s5 =	simm.s32 $_scs_section_size  }
0x9b: {  	s6 =	simm.s32 $_size__tile_overlayer_lowered;
	s7 =	simm.s32 $_tile_overlayer_lowered  }
0x9c: {  	s22 =	simm.s32 $0x1BFF;
	s21 =	sshll.u32 s7, $0x1;
	s4 =	sadd.s32 s5, s19  }
0x9d: {  	s8 =	simm.s32 $0x0;
	s20 =	sshll.u32 s6, $0x1;
	s6 =	sadd.s32 s21, s4  }
0x9e: {  	[timem:s8], [sflag:s22] =	dma.local [hbm:s6], s20  }
0x9f: {  	_ =	swait.ge [sflag:s22], s20  }
0xa0: {  	s5 =	ssub.s32 $0x0, s20;
	[sflag:s22] =	ssyncset.done $0x0  }
0xa1: {  	[sflag:s22] =	ssyncadd.s32 s5;
	_ =	sdelay $0x1  }
0xa2: {  	s23 =	simm.s32 $0x1B8B  }
0xa3: {  	_ =	swait.ge [sflag:s23], $0x1  }
0xa4: {  	[sflag:s23] =	ssyncset.done $0x0  }
0xa5: {  	s25 =	simm.s32 $0x1B8E;
	s24 =	sld [smem:$0x3FFE];
	[sflag:s23] =	ssyncadd.s32 $0xFFFFFFFF  }
0xa6: {  	s26 =	simm.s32 $execute0_lowered;
	[smem:$0x3FD2] =	sst s25  }
0xa7: {  	s6 =	sshll.u32 s26, $0x1;
	_ =	strace $0x80000046;
	[dreg:$0x1] =	wrdreg $0xFFFFFFFF  }
0xa8: {  	s28 =	simm.s32 $_size_execute0_lowered;
	s4 =	sadd.s32 s4, s6;
	[dreg:$0x0] =	wrdreg $0x0  }
0xa9: {  	s6 =	sshll.u32 s28, $0x1;
	[dreg:$0x2] =	wrdreg s4  }
0xaa: {  	[dreg:$0x3] =	wrdreg s6  }
0xab: {  	[dreg:$0x4] =	wrdreg $0xC0  }
0xac: {  	_ =	task [dreg:s8], $0x5FFFF  }
0xad: {  	[dreg:$0x1] =	wrdreg $0xFFFFFFFF  }
0xae: {  	[dreg:$0x0] =	wrdreg $0x60  }
0xaf: {  	[dreg:$0x2] =	wrdreg s24  }
0xb0: {  	[dreg:$0x3] =	wrdreg s2  }
0xb1: {  	[dreg:$0x4] =	wrdreg s18  }
0xb2: {  	[dreg:$0x5] =	wrdreg $0x8000  }
0xb3: {  	[dreg:$0x6] =	wrdreg $0x9  }
0xb4: {  	_ =	task.clear_ibuf [dreg:s8], $0x7FFFF;
	_ =	strace $0x90000046  }
0xb5: {  	s29 =	simm.s32 $0x9;
	_ =	strace $0x80000048  }
0xb6: {  	_ =	swait.ge [sflag:s29], $0x1  }
0xb7: {  	[sflag:s29] =	ssyncadd.s32 $0xFFFFFFFF  }
0xb8: {  	_ =	strace $0x90000048  }
0xb9: {  	_ =	sfence  }
0xba: {  	s30 =	sld [smem:$0x0];
	_ =	sdelay $0x2  }
0xbb: {  	s31 =	sshll.u32 s1, $0xD;
	s1 =	sshrl.u32 s1, $0x2  }
0xbc: {  	s3 =	sand.u32 $0x4000, s31;
	s1 =	sadd.s32 s1, s30  }
0xbd: {  	s0 =	sor.u32 s3, s0;
	s1 =	sshll.u32 s1, $0x11  }
0xbe: {  	s0 =	sor.u32 s1, s0  }
0xbf: {  	s0 =	sadd.s32 $0x8F2B, s0  }
0xc0: {  	[sflag:s0] =	ssyncadd.remote.s32 $0x1  }
0xc1: {  	_ =	sfence.sel $0xFFFF  }
0xc2: {  	[dreg:$0x0] =	wrdreg $0xFFFFFFFF;
	(pc) =	sbr.abs _section_cstart, $3  }
0xc3: {  	[dreg:$0x1] =	wrdreg $0xFFFFFFFF  }
0xc4: {  	_ =	task.clear_ibuf [dreg:s8], $0x2FFFF;
	_ =	strace $0x9FFFFFFF  }
0xc5: {  	(tm) =	ssettm $0x7FFFFFFF  }
tec
execute0_lowered:
.L_overlay_start_1:
0x0: {  	(tag) =	ssettag $0x1  }
0x1: {  	s0 =	rddreg [dreg:$0x0]  }
0x2: {  	s2 =	rddreg [dreg:$0x2]  }
0x3: {  	s3 =	rddreg [dreg:$0x3]  }
0x4: {  	s4 =	simm.s32 $0x0;
	s14 =	srdreg.scid;
	s9 =	stileid.u32  }
0x5: {  	[smem:$0x7FF] =	sst s4;
	s4 =	sand.u32 $0x1, s14;
	s5 =	sshll.u32 s9, $0x1  }
0x6: {  	s6 =	smul.u32 $0x60000, s9;
	s30 =	sshll.u32 s9, $0x6;
	s5 =	sor.u32 s4, s5  }
0x7: {  	_ =	strace $0x80000047;
	[dreg:$0x1e] =	wrdreg s30;
	s7 =	sshll.u32 s5, $0x8  }
0x8: {  	s1 =	sor.u32 $0x1C01, s30;
	s6 =	sshrl.u32 s6, $0x2;
	s0 =	sadd.s32 s7, s0  }
0x9: {  	[dreg:$0x10] =	wrdreg s1;
	s3 =	sadd.s32 s6, s3;
	s0 =	sadd.s32 $0x400, s0  }
0xa: {  	s21 =	sshll.u32 s9, $0x9;
	s18 =	sadd.s32 $0x100, s3;
	[dreg:$0x12] =	wrdreg s0  }
0xb: {  	s8 =	ssub.s32 $0x2, s4;
	s19 =	sadd.s32 $0x180, s3;
	[dreg:$0x13] =	wrdreg s18  }
0xc: {  	s4 =	sshll.u32 s4, $0x8;
	s20 =	sadd.s32 $0xC000, s3;
	[dreg:$0x14] =	wrdreg s19  }
0xd: {  	s15 =	sshrl.u32 s8, $0x1;
	s22 =	sadd.s32 $0xC080, s3;
	[dreg:$0x15] =	wrdreg s20  }
0xe: {  	s5 =	smul.u32 $0x300000, s5;
	s23 =	sadd.s32 $0xC100, s3;
	[dreg:$0x16] =	wrdreg s22  }
0xf: {  	s16 =	ssub.s32 s8, s15;
	s24 =	sadd.s32 $0xC180, s3;
	[dreg:$0x17] =	wrdreg s23  }
0x10: {  	s17 =	sadd.s32 $0x80, s3;
	s29 =	smax.u32 s16, $0x1;
	[dreg:$0x18] =	wrdreg s24  }
0x11: {  	s5 =	sshrl.u32 s5, $0x3;
	s31 =	sshrl.u32 s3, $0x3;
	[dreg:$0x1d] =	wrdreg s29  }
0x12: {  	s5 =	sadd.s32 s2, s5;
	[dreg:$0xe] =	wrdreg s31;
	s0 =	sshrl.u32 s17, $0x3  }
0x13: {  	s4 =	sor.u32 s4, s21;
	s25 =	sadd.s32 $0x5A000, s5;
	[dreg:$0x6] =	wrdreg s0  }
0x14: {  	s4 =	sshrl.u32 s4, $0x3;
	s26 =	sadd.s32 $0x5A040, s5;
	[dreg:$0x19] =	wrdreg s25  }
0x15: {  	s4 =	smul.u32 $0x3000, s4;
	s28 =	sadd.s32 $0x5D000, s5;
	[dreg:$0x1a] =	wrdreg s26  }
0x16: {  	s5 =	sadd.s32 $0x5D040, s5;
	[dreg:$0x1b] =	wrdreg s28  }
0x17: {  	s2 =	sadd.s32 s4, s2;
	[dreg:$0x1c] =	wrdreg s5  }
0x18: {  	s6 =	simm.s32 $0x1;
	[dreg:$0x5] =	wrdreg s2;
	s2 =	simm.s32 $0x0  }
.LBB2_1:
0x19: {  	[dreg:$0x1f] =	wrdreg s2  }
0x1a: {  	s0 =	simm.s32 $0x0;
	s25 =	rddreg [dreg:$0x12];
	s26 =	simm.s32 $0x5  }
0x1b: {  	[tilespmem:s0], [sflag:$0x5] =	stream.linear.gather [hbm4b:s25+s0], $0x800, $0x38;
	[tilespmem:$0x18800] =	vst v63  }
0x1c: {  	_ =	swait.ge [sflag:s26], $0x800  }
0x1d: {  	[sflag:s26] =	ssyncset.done $0x0  }
0x1e: {  	[sflag:s26] =	ssyncadd.s32 $0xFFFFF800  }
0x1f: {  	v0 =	vld [tilespmem:$0x0];
	_ =	sdelay $0x4  }
0x20: {  	(v2sf) =	vpush v0, $0x0;
	_ =	sdelay $0xe  }
0x21: {  	s28 =	spop (v2sf)  }
0x22: {  	s29 =	sshrl.u32 s28, $0x3  }
0x23: {  	s0 =	sshll.u32 s28, $0x7;
	s2 =	smul.u32 $0x18000, s29  }
0x24: {  	s0 =	sand.u32 $0x380, s0  }
0x25: {  	s19 =	rddreg [dreg:$0xe];
	s0 =	sor.u32 s0, s2  }
0x26: {  	s24 =	simm.s32 $0x40;
	s18 =	rddreg [dreg:$0x1];
	s0 =	sshrl.u32 s0, $0x3  }
0x27: {  	s20 =	simm.s32 $0x80;
	s25 =	rddreg [dreg:$0x10];
	s0 =	sadd.s32 s18, s0  }
0x28: {  	[spmem:s19@s24], [sflag:s25] =	dma.strided [hbm:s0@s20], $0x600, s6, $0x10   }
0x29: {  	(v2sf) =	vpush v0, $0x1;
	_ =	sdelay $0xe  }
0x2a: {  	s0 =	spop (v2sf)  }
0x2b: {  	s30 =	sshrl.u32 s0, $0x3  }
0x2c: {  	s0 =	sshll.u32 s0, $0x7;
	s2 =	smul.u32 $0x18000, s30  }
0x2d: {  	s0 =	sand.u32 $0x380, s0  }
0x2e: {  	s0 =	sor.u32 s0, s2  }
0x2f: {  	s0 =	sshrl.u32 s0, $0x3  }
0x30: {  	s16 =	rddreg [dreg:$0x6];
	s0 =	sadd.s32 s18, s0  }
0x31: {  	[spmem:s16@s24], [sflag:s25] =	dma.strided [hbm:s0@s20], $0x600, s6, $0x10   }
0x32: {  	(v2sf) =	vpush v0, $0x2;
	_ =	sdelay $0xe  }
0x33: {  	s0 =	spop (v2sf)  }
0x34: {  	s31 =	sshrl.u32 s0, $0x3  }
0x35: {  	s0 =	sshll.u32 s0, $0x7;
	s2 =	smul.u32 $0x18000, s31  }
0x36: {  	s0 =	sand.u32 $0x380, s0  }
0x37: {  	s0 =	sor.u32 s0, s2  }
0x38: {  	s1 =	rddreg [dreg:$0x13];
	s0 =	sshrl.u32 s0, $0x3  }
0x39: {  	s22 =	sshrl.u32 s1, $0x3;
	s0 =	sadd.s32 s18, s0  }
0x3a: {  	[spmem:s22@s24], [sflag:s25] =	dma.strided [hbm:s0@s20], $0x600, s6, $0x10   }
0x3b: {  	(v2sf) =	vpush v0, $0x3;
	_ =	sdelay $0xe  }
0x3c: {  	s0 =	spop (v2sf)  }
0x3d: {  	s3 =	sshrl.u32 s0, $0x3  }
0x3e: {  	s0 =	sshll.u32 s0, $0x7;
	s2 =	smul.u32 $0x18000, s3  }
0x3f: {  	s0 =	sand.u32 $0x380, s0  }
0x40: {  	s0 =	sor.u32 s0, s2  }
0x41: {  	s5 =	rddreg [dreg:$0x14];
	s0 =	sshrl.u32 s0, $0x3  }
0x42: {  	s28 =	sshrl.u32 s5, $0x3;
	s4 =	sadd.s32 s18, s0  }
0x43: {  	[spmem:s28@s24], [sflag:s25] =	dma.strided [hbm:s4@s20], $0x600, s6, $0x10   }
0x44: {  	(v2sf) =	vpush v0, $0x4;
	_ =	sdelay $0xe  }
0x45: {  	s2 =	spop (v2sf)  }
0x46: {  	s3 =	sshrl.u32 s2, $0x3  }
0x47: {  	s2 =	sshll.u32 s2, $0x7;
	s3 =	smul.u32 $0x18000, s3  }
0x48: {  	s2 =	sand.u32 $0x380, s2  }
0x49: {  	s9 =	rddreg [dreg:$0x1e];
	s2 =	sor.u32 s2, s3  }
0x4a: {  	s7 =	rddreg [dreg:$0x15];
	s2 =	sshrl.u32 s2, $0x3  }
0x4b: {  	s21 =	sor.u32 $0x1C02, s9;
	s23 =	sshrl.u32 s7, $0x3;
	s2 =	sadd.s32 s18, s2  }
0x4c: {  	[spmem:s23@s24], [sflag:s21] =	dma.strided [hbm:s2@s20], $0x600, s6, $0x10   }
0x4d: {  	(v2sf) =	vpush v0, $0x5;
	_ =	sdelay $0xe  }
0x4e: {  	s2 =	spop (v2sf)  }
0x4f: {  	s8 =	sshrl.u32 s2, $0x3  }
0x50: {  	s2 =	sshll.u32 s2, $0x7;
	s3 =	smul.u32 $0x18000, s8  }
0x51: {  	s2 =	sand.u32 $0x380, s2  }
0x52: {  	s2 =	sor.u32 s2, s3  }
0x53: {  	s11 =	rddreg [dreg:$0x16];
	s2 =	sshrl.u32 s2, $0x3  }
0x54: {  	s10 =	sadd.s32 s18, s2;
	s2 =	sshrl.u32 s11, $0x3  }
0x55: {  	[spmem:s2@s24], [sflag:s21] =	dma.strided [hbm:s10@s20], $0x600, s6, $0x10   }
0x56: {  	(v2sf) =	vpush v0, $0x6;
	_ =	sdelay $0xe  }
0x57: {  	s3 =	spop (v2sf)  }
0x58: {  	s4 =	sshrl.u32 s3, $0x3  }
0x59: {  	s3 =	sshll.u32 s3, $0x7;
	s4 =	smul.u32 $0x18000, s4  }
0x5a: {  	s3 =	sand.u32 $0x380, s3  }
0x5b: {  	s3 =	sor.u32 s3, s4  }
0x5c: {  	s13 =	rddreg [dreg:$0x17];
	s3 =	sshrl.u32 s3, $0x3  }
0x5d: {  	s12 =	sadd.s32 s18, s3;
	s3 =	sshrl.u32 s13, $0x3  }
0x5e: {  	[spmem:s3@s24], [sflag:s21] =	dma.strided [hbm:s12@s20], $0x600, s6, $0x10   }
0x5f: {  	(v2sf) =	vpush v0, $0x7;
	_ =	sdelay $0xe  }
0x60: {  	s4 =	spop (v2sf)  }
0x61: {  	s5 =	sshrl.u32 s4, $0x3  }
0x62: {  	s4 =	sshll.u32 s4, $0x7;
	s5 =	smul.u32 $0x18000, s5  }
0x63: {  	s4 =	sand.u32 $0x380, s4  }
0x64: {  	s4 =	sor.u32 s4, s5  }
0x65: {  	s15 =	rddreg [dreg:$0x18];
	s4 =	sshrl.u32 s4, $0x3  }
0x66: {  	s14 =	sadd.s32 s18, s4;
	s4 =	sshrl.u32 s15, $0x3  }
0x67: {  	[spmem:s4@s24], [sflag:s21] =	dma.strided [hbm:s14@s20], $0x600, s6, $0x10   }
0x68: {  	v0 =	vld [tilespmem:s20+$0x0];
	_ =	sdelay $0x2  }
0x69: {  	v1 =	vld [tilespmem:s20+$0xFFFFFF80]  }
0x6a: {  	_ =	swait.ge [sflag:s6], $0x1800  }
0x6b: {  	(v2sf) =	vpush v0, $0x0  }
0x6c: {  	s1 =	simm.s32 $0x4  }
0x6d: {  	s26 =	sor.u32 $0x1C03, s9;
	s17 =	rddreg [dreg:$0x5];
	[sflag:s6] =	ssyncset.done $0x0  }
0x6e: {  	[dreg:$0xc] =	wrdreg s26;
	[sflag:s6] =	ssyncadd.s32 $0xFFFFE800;
	s8 =	sadd.s32 $0x0, s17;
	(v2sf) =	vpush v1, $0xB  }
0x6f: {  	[hbm:s8@s20], [sflag:s26] =	dma.strided [spmem:s19@s24], $0x1800, s1, $0x10   }
0x70: {  	s29 =	simm.s32 $0x2;
	(v2sf) =	vpush v1, $0x9  }
0x71: {  	_ =	swait.ge [sflag:s29], $0x1800  }
0x72: {  	(v2sf) =	vpush v1, $0x8;
	_ =	sdelay $0x1  }
0x73: {  	s30 =	sor.u32 $0x1C04, s9;
	[sflag:s29] =	ssyncset.done $0x0;
	(v2sf) =	vpush v1, $0xA  }
0x74: {  	s7 =	sadd.s32 $0x40, s8;
	[dreg:$0xd] =	wrdreg s30;
	[sflag:s29] =	ssyncadd.s32 $0xFFFFE800  }
0x75: {  	[hbm:s7@s20], [sflag:s30] =	dma.strided [spmem:s23@s24], $0x1800, s1, $0x10   }
0x76: {  	(v2sf) =	vpush v1, $0xC  }
0x77: {  	(v2sf) =	vpush v1, $0xD;
	_ =	sdelay $0x1  }
0x78: {  	s31 =	simm.s32 $0x3;
	s7 =	spop (v2sf)  }
0x79: {  	_ =	swait.ge [sflag:s31], $0x1800  }
0x7a: {  	(v2sf) =	vpush v1, $0xE  }
0x7b: {  	(v2sf) =	vpush v1, $0xF;
	_ =	sdelay $0x1  }
0x7c: {  	s5 =	spop (v2sf);
	[sflag:s31] =	ssyncset.done $0x0  }
0x7d: {  	s10 =	spop (v2sf);
	[sflag:s31] =	ssyncadd.s32 $0xFFFFE800;
	s31 =	sshrl.u32 s5, $0x3;
	(v2sf) =	vpush v0, $0x1  }
0x7e: {  	s9 =	sshll.u32 s5, $0x7;
	s12 =	sshrl.u32 s10, $0x3;
	(v2sf) =	vpush v0, $0x2;
	s11 =	spop (v2sf)  }
0x7f: {  	s10 =	sshll.u32 s10, $0x7;
	s12 =	smul.u32 $0x18000, s12;
	s13 =	sshrl.u32 s11, $0x3  }
0x80: {  	s11 =	sshll.u32 s11, $0x7;
	s14 =	spop (v2sf);
	s13 =	smul.u32 $0x18000, s13  }
0x81: {  	s10 =	sand.u32 $0x380, s10;
	s15 =	sshrl.u32 s14, $0x3;
	s11 =	sand.u32 $0x380, s11  }
0x82: {  	s10 =	sor.u32 s10, s12;
	s29 =	sshll.u32 s14, $0x7;
	s11 =	sor.u32 s11, s13  }
0x83: {  	s26 =	spop (v2sf);
	s10 =	sshrl.u32 s10, $0x3;
	s11 =	sshrl.u32 s11, $0x3  }
0x84: {  	s30 =	smul.u32 $0x18000, s15;
	s17 =	spop (v2sf);
	s11 =	sadd.s32 s18, s11  }
0x85: {  	[spmem:s19@s24], [sflag:s25] =	dma.strided [hbm:s11@s20], $0x600, s6, $0x10   }
0x86: {  	s9 =	sand.u32 $0x380, s9;
	s10 =	sadd.s32 s18, s10;
	s11 =	sand.u32 $0x380, s29  }
0x87: {  	s5 =	sshll.u32 s26, $0x7;
	s19 =	sshrl.u32 s26, $0x3;
	s11 =	sor.u32 s11, s30  }
0x88: {  	s26 =	sshrl.u32 s17, $0x3;
	s11 =	sshrl.u32 s11, $0x3;
	s12 =	spop (v2sf)  }
0x89: {  	s0 =	sadd.s32 s18, s11;
	s11 =	smul.u32 $0x18000, s19;
	s15 =	spop (v2sf)  }
0x8a: {  	[spmem:s16@s24], [sflag:s25] =	dma.strided [hbm:s10@s20], $0x600, s6, $0x10   }
0x8b: {  	s29 =	sshrl.u32 s12, $0x3;
	s10 =	smul.u32 $0x18000, s31;
	[dreg:$0x7] =	wrdreg s22  }
0x8c: {  	s12 =	sshll.u32 s12, $0x7;
	s13 =	smul.u32 $0x18000, s29;
	s14 =	spop (v2sf)  }
0x8d: {  	s12 =	sand.u32 $0x380, s12;
	(v2sf) =	vpush v0, $0x3;
	s9 =	sor.u32 s9, s10;
	s16 =	spop (v2sf)  }
0x8e: {  	(v2sf) =	vpush v0, $0x4;
	s10 =	sand.u32 $0x380, s5;
	s30 =	sor.u32 s12, s13;
	s5 =	sshll.u32 s15, $0x7  }
0x8f: {  	(v2sf) =	vpush v0, $0x5;
	s9 =	sshrl.u32 s9, $0x3;
	s19 =	sand.u32 $0x380, s5;
	s29 =	sshrl.u32 s16, $0x3  }
0x90: {  	[spmem:s22@s24], [sflag:s25] =	dma.strided [hbm:s0@s20], $0x600, s6, $0x10   }
0x91: {  	s9 =	sadd.s32 s18, s9;
	[dreg:$0x8] =	wrdreg s28;
	s22 =	sor.u32 s10, s11  }
0x92: {  	[spmem:s28@s24], [sflag:s25] =	dma.strided [hbm:s9@s20], $0x600, s6, $0x10   }
0x93: {  	s11 =	smul.u32 $0x18000, s26;
	s0 =	sshrl.u32 s15, $0x3;
	s25 =	sshll.u32 s7, $0x7  }
0x94: {  	s9 =	sshrl.u32 s22, $0x3;
	s28 =	sshll.u32 s17, $0x7;
	s7 =	sshrl.u32 s7, $0x3  }
0x95: {  	s17 =	sshrl.u32 s30, $0x3;
	s22 =	sshrl.u32 s14, $0x3;
	_ =	swait.ge [sflag:s1], $0x1800  }
0x96: {  	s30 =	sshll.u32 s16, $0x7;
	s9 =	sadd.s32 s18, s9;
	[sflag:s1] =	ssyncset.done $0x0  }
0x97: {  	[dreg:$0xf] =	wrdreg s23;
	s7 =	smul.u32 $0x18000, s7;
	[sflag:s1] =	ssyncadd.s32 $0xFFFFE800  }
0x98: {  	[spmem:s23@s24], [sflag:s21] =	dma.strided [hbm:s9@s20], $0x600, s6, $0x10   }
0x99: {  	s10 =	sand.u32 $0x380, s25;
	s25 =	smul.u32 $0x18000, s22;
	s9 =	sand.u32 $0x380, s28  }
0x9a: {  	s31 =	sor.u32 s10, s7;
	s1 =	smul.u32 $0x18000, s0;
	s9 =	sor.u32 s9, s11  }
0x9b: {  	s7 =	simm.s32 $0x6000;
	s10 =	sadd.s32 $0x3000, s8;
	s9 =	sshrl.u32 s9, $0x3  }
0x9c: {  	[dreg:$0x9] =	wrdreg s2;
	s23 =	sshll.u32 s14, $0x7;
	s15 =	sadd.s32 s18, s9  }
0x9d: {  	[spmem:s2@s24], [sflag:s21] =	dma.strided [hbm:s15@s20], $0x600, s6, $0x10   }
0x9e: {  	s11 =	sor.u32 s19, s1;
	s9 =	sadd.s32 s18, s17;
	[dreg:$0xa] =	wrdreg s3  }
0x9f: {  	[spmem:s3@s24], [sflag:s21] =	dma.strided [hbm:s9@s20], $0x600, s6, $0x10   }
0xa0: {  	s14 =	smul.u32 $0x18000, s29;
	s11 =	sshrl.u32 s11, $0x3;
	[dreg:$0xb] =	wrdreg s4  }
0xa1: {  	s28 =	sand.u32 $0x380, s23;
	s26 =	sadd.s32 s18, s11;
	[dreg:$0x11] =	wrdreg s21  }
0xa2: {  	[spmem:s4@s24], [sflag:s21] =	dma.strided [hbm:s26@s20], $0x600, s6, $0x10   }
0xa3: {  	s13 =	sor.u32 s28, s25;
	s11 =	sshrl.u32 s31, $0x3;
	s31 =	sand.u32 $0x380, s30;
	(v2sf) =	vpush v0, $0x6  }
0xa4: {  	s12 =	sshrl.u32 s13, $0x3;
	s13 =	sor.u32 s31, s14;
	_ =	swait.ge [sflag:s6], $0x1800  }
0xa5: {  	s9 =	simm.s32 $0x100;
	[sflag:s6] =	ssyncset.done $0x0;
	s14 =	spop (v2sf)  }
.LBB2_2:
0xa6: {  	s31 =	rddreg [dreg:$0xc]  }
0xa7: {  	[sflag:s6] =	ssyncadd.s32 $0xFFFFE800;
	s15 =	sadd.s32 $0x3040, s8;
	s29 =	rddreg [dreg:$0xe]  }
0xa8: {  	s1 =	simm.s32 $0x4;
	s24 =	simm.s32 $0x40;
	s20 =	simm.s32 $0x80  }
0xa9: {  	s0 =	simm.s32 $0x2;
	s22 =	sshll.u32 s14, $0x7;
	s13 =	sshrl.u32 s13, $0x3  }
0xaa: {  	s21 =	sshrl.u32 s14, $0x3;
	s2 =	simm.s32 $0x3;
	s16 =	spop (v2sf);
	(v2sf) =	vpush v0, $0x7  }
0xab: {  	[hbm:s10@s20], [sflag:s31] =	dma.strided [spmem:s29@s24], $0x1800, s1, $0x10   }
0xac: {  	s14 =	smul.u32 $0x18000, s21;
	s25 =	sand.u32 $0x380, s22;
	s19 =	sshrl.u32 s16, $0x3  }
0xad: {  	s16 =	sshll.u32 s16, $0x7;
	_ =	swait.ge [sflag:s0], $0x1800;
	s10 =	smul.u32 $0x18000, s19  }
0xae: {  	s16 =	sand.u32 $0x380, s16;
	s26 =	sor.u32 s25, s14;
	s19 =	rddreg [dreg:$0xd]  }
0xaf: {  	s17 =	spop (v2sf);
	[sflag:s0] =	ssyncset.done $0x0;
	s23 =	rddreg [dreg:$0xf]  }
0xb0: {  	s28 =	sshrl.u32 s17, $0x3;
	[sflag:s0] =	ssyncadd.s32 $0xFFFFE800;
	s17 =	sshll.u32 s17, $0x7  }
0xb1: {  	[hbm:s15@s20], [sflag:s19] =	dma.strided [spmem:s23@s24], $0x1800, s1, $0x10   }
0xb2: {  	s10 =	sor.u32 s16, s10;
	s28 =	smul.u32 $0x18000, s28;
	_ =	swait.ge [sflag:s2], $0x1800  }
0xb3: {  	s17 =	sand.u32 $0x380, s17;
	s10 =	sshrl.u32 s10, $0x3;
	s18 =	rddreg [dreg:$0x1]  }
0xb4: {  	[sflag:s2] =	ssyncset.done $0x0;
	s30 =	rddreg [dreg:$0x10];
	s28 =	sor.u32 s17, s28  }
0xb5: {  	s13 =	sadd.s32 s18, s13;
	s11 =	sadd.s32 s18, s11;
	[sflag:s2] =	ssyncadd.s32 $0xFFFFE800  }
0xb6: {  	[spmem:s29@s24], [sflag:s30] =	dma.strided [hbm:s11@s20], $0x600, s6, $0x10   }
0xb7: {  	s14 =	sshrl.u32 s28, $0x3;
	s12 =	sadd.s32 s18, s12;
	s3 =	spop (v2sf)  }
0xb8: {  	s10 =	sadd.s32 s18, s10;
	s11 =	sshrl.u32 s26, $0x3;
	s4 =	sshrl.u32 s3, $0x3  }
0xb9: {  	s15 =	sshll.u32 s3, $0x7;
	s3 =	rddreg [dreg:$0x6];
	s5 =	spop (v2sf)  }
0xba: {  	[spmem:s3@s24], [sflag:s30] =	dma.strided [hbm:s12@s20], $0x600, s6, $0x10   }
0xbb: {  	s11 =	sadd.s32 s18, s11;
	s16 =	smul.u32 $0x18000, s4;
	s4 =	rddreg [dreg:$0x7]  }
0xbc: {  	[spmem:s4@s24], [sflag:s30] =	dma.strided [hbm:s13@s20], $0x600, s6, $0x10   }
0xbd: {  	s21 =	sshrl.u32 s5, $0x3;
	s17 =	sshll.u32 s5, $0x7;
	s5 =	rddreg [dreg:$0x8]  }
0xbe: {  	[spmem:s5@s24], [sflag:s30] =	dma.strided [hbm:s11@s20], $0x600, s6, $0x10   }
0xbf: {  	s28 =	sadd.s32 s18, s14;
	s15 =	sand.u32 $0x380, s15;
	_ =	swait.ge [sflag:s1], $0x1800  }
0xc0: {  	s15 =	sor.u32 s15, s16;
	s25 =	smul.u32 $0x18000, s21;
	[sflag:s1] =	ssyncset.done $0x0  }
0xc1: {  	s26 =	sand.u32 $0x380, s17;
	s21 =	rddreg [dreg:$0x11];
	[sflag:s1] =	ssyncadd.s32 $0xFFFFE800  }
0xc2: {  	[spmem:s23@s24], [sflag:s21] =	dma.strided [hbm:s10@s20], $0x600, s6, $0x10   }
0xc3: {  	s22 =	sshrl.u32 s15, $0x3;
	s12 =	sor.u32 s26, s25;
	s4 =	rddreg [dreg:$0x9]  }
0xc4: {  	[spmem:s4@s24], [sflag:s21] =	dma.strided [hbm:s28@s20], $0x600, s6, $0x10   }
0xc5: {  	s11 =	sadd.s32 s18, s22;
	s12 =	sshrl.u32 s12, $0x3;
	s25 =	rddreg [dreg:$0xa]  }
0xc6: {  	[spmem:s25@s24], [sflag:s21] =	dma.strided [hbm:s11@s20], $0x600, s6, $0x10   }
0xc7: {  	s12 =	sadd.s32 s18, s12;
	s26 =	rddreg [dreg:$0xb]  }
0xc8: {  	[spmem:s26@s24], [sflag:s21] =	dma.strided [hbm:s12@s20], $0x600, s6, $0x10   }
0xc9: {  	v0 =	vld [tilespmem:s9+$0x0];
	_ =	sdelay $0x1  }
0xca: {  	v1 =	vld [tilespmem:s9+$0xFFFFFF80];
	_ =	sdelay $0x1  }
0xcb: {  	_ =	swait.ge [sflag:s6], $0x1800  }
0xcc: {  	(v2sf) =	vpush v0, $0x0  }
0xcd: {  	s8 =	smov.u32 s7;
	[sflag:s6] =	ssyncset.done $0x0;
	s14 =	rddreg [dreg:$0x5]  }
0xce: {  	[sflag:s6] =	ssyncadd.s32 $0xFFFFE800;
	s8 =	sadd.s32 s8, s14;
	(v2sf) =	vpush v1, $0xB  }
0xcf: {  	[hbm:s8@s20], [sflag:s31] =	dma.strided [spmem:s29@s24], $0x1800, s1, $0x10   }
0xd0: {  	(v2sf) =	vpush v1, $0x9;
	_ =	sdelay $0x1  }
0xd1: {  	_ =	swait.ge [sflag:s0], $0x1800  }
0xd2: {  	(v2sf) =	vpush v1, $0x8;
	[sflag:s0] =	ssyncset.done $0x0  }
0xd3: {  	s15 =	sadd.s32 $0x40, s8;
	(v2sf) =	vpush v1, $0xA;
	[sflag:s0] =	ssyncadd.s32 $0xFFFFE800  }
0xd4: {  	[hbm:s15@s20], [sflag:s19] =	dma.strided [spmem:s23@s24], $0x1800, s1, $0x10   }
0xd5: {  	(v2sf) =	vpush v1, $0xC;
	_ =	sdelay $0x1  }
0xd6: {  	(v2sf) =	vpush v1, $0xD;
	_ =	sdelay $0x2  }
0xd7: {  	p0 =	sne.s32 s7, $0x54000;
	s7 =	sadd.s32 $0x6000, s7;
	s12 =	spop (v2sf)  }
0xd8: {  	s9 =	sadd.s32 $0x80, s9;
	s10 =	sadd.s32 $0x3000, s8;
	_ =	swait.ge [sflag:s2], $0x1800  }
0xd9: {  	s16 =	sshll.u32 s12, $0x7;
	s12 =	sshrl.u32 s12, $0x3;
	s17 =	spop (v2sf)  }
0xda: {  	s11 =	sand.u32 $0x380, s16;
	[sflag:s2] =	ssyncset.done $0x0;
	s12 =	smul.u32 $0x18000, s12  }
0xdb: {  	s14 =	sshrl.u32 s17, $0x3;
	s19 =	spop (v2sf);
	(v2sf) =	vpush v1, $0xE;
	s13 =	sshll.u32 s17, $0x7  }
0xdc: {  	[sflag:s2] =	ssyncadd.s32 $0xFFFFE800;
	s16 =	sshrl.u32 s19, $0x3;
	s15 =	sshll.u32 s19, $0x7  }
0xdd: {  	s13 =	sand.u32 $0x380, s13;
	s14 =	smul.u32 $0x18000, s14;
	s11 =	sor.u32 s11, s12  }
0xde: {  	s31 =	spop (v2sf);
	s15 =	sand.u32 $0x380, s15;
	s16 =	smul.u32 $0x18000, s16  }
0xdf: {  	s11 =	sshrl.u32 s11, $0x3;
	s22 =	sshll.u32 s31, $0x7;
	s0 =	spop (v2sf);
	(v2sf) =	vpush v1, $0xF  }
0xe0: {  	s17 =	sshrl.u32 s31, $0x3;
	s13 =	sor.u32 s13, s14;
	s2 =	sshrl.u32 s0, $0x3  }
0xe1: {  	s22 =	sand.u32 $0x380, s22;
	s28 =	sshll.u32 s0, $0x7;
	s19 =	spop (v2sf);
	(v2sf) =	vpush v0, $0x1  }
0xe2: {  	s17 =	smul.u32 $0x18000, s17;
	s13 =	sshrl.u32 s13, $0x3;
	s15 =	sor.u32 s15, s16  }
0xe3: {  	s31 =	smul.u32 $0x18000, s2;
	s28 =	sand.u32 $0x380, s28;
	s2 =	spop (v2sf);
	(v2sf) =	vpush v0, $0x2  }
0xe4: {  	s15 =	sshrl.u32 s15, $0x3;
	s13 =	sadd.s32 s18, s13;
	s14 =	sshll.u32 s19, $0x7  }
0xe5: {  	s0 =	sshrl.u32 s19, $0x3;
	s17 =	sor.u32 s22, s17;
	s15 =	sadd.s32 s18, s15  }
0xe6: {  	s28 =	sor.u32 s28, s31;
	s19 =	sshrl.u32 s2, $0x3;
	s31 =	sshll.u32 s2, $0x7  }
0xe7: {  	s0 =	smul.u32 $0x18000, s0;
	s17 =	sshrl.u32 s17, $0x3;
	s14 =	sand.u32 $0x380, s14  }
0xe8: {  	s22 =	sadd.s32 s18, s17;
	s17 =	sshrl.u32 s28, $0x3;
	s2 =	smul.u32 $0x18000, s19  }
0xe9: {  	[spmem:s29@s24], [sflag:s30] =	dma.strided [hbm:s22@s20], $0x600, s6, $0x10   }
0xea: {  	s19 =	sand.u32 $0x380, s31;
	s0 =	sor.u32 s14, s0;
	s22 =	spop (v2sf)  }
0xeb: {  	s14 =	sadd.s32 s18, s17;
	s2 =	sor.u32 s19, s2;
	s28 =	sshrl.u32 s22, $0x3  }
0xec: {  	s0 =	sshrl.u32 s0, $0x3;
	s17 =	sshll.u32 s22, $0x7;
	s16 =	smul.u32 $0x18000, s28  }
0xed: {  	s2 =	sshrl.u32 s2, $0x3;
	s0 =	sadd.s32 s18, s0;
	s17 =	sand.u32 $0x380, s17  }
0xee: {  	s2 =	sadd.s32 s18, s2;
	s29 =	spop (v2sf);
	s16 =	sor.u32 s17, s16  }
0xef: {  	[spmem:s3@s24], [sflag:s30] =	dma.strided [hbm:s15@s20], $0x600, s6, $0x10   }
0xf0: {  	s31 =	sshrl.u32 s29, $0x3;
	s22 =	sshll.u32 s29, $0x7;
	s28 =	spop (v2sf);
	(v2sf) =	vpush v0, $0x3  }
0xf1: {  	s15 =	sshrl.u32 s16, $0x3;
	s19 =	smul.u32 $0x18000, s31;
	s17 =	sand.u32 $0x380, s22;
	(v2sf) =	vpush v0, $0x4  }
0xf2: {  	s3 =	rddreg [dreg:$0x7];
	s29 =	sshrl.u32 s28, $0x3;
	s22 =	spop (v2sf);
	(v2sf) =	vpush v0, $0x5  }
0xf3: {  	[spmem:s3@s24], [sflag:s30] =	dma.strided [hbm:s14@s20], $0x600, s6, $0x10   }
0xf4: {  	[spmem:s5@s24], [sflag:s30] =	dma.strided [hbm:s13@s20], $0x600, s6, $0x10   }
0xf5: {  	s12 =	sshll.u32 s28, $0x7;
	s16 =	sor.u32 s17, s19;
	_ =	swait.ge [sflag:s1], $0x1800  }
0xf6: {  	s17 =	smul.u32 $0x18000, s29;
	s19 =	sadd.s32 s18, s15;
	[sflag:s1] =	ssyncset.done $0x0  }
0xf7: {  	s12 =	sand.u32 $0x380, s12;
	s16 =	sshrl.u32 s16, $0x3;
	[sflag:s1] =	ssyncadd.s32 $0xFFFFE800  }
0xf8: {  	[spmem:s23@s24], [sflag:s21] =	dma.strided [hbm:s0@s20], $0x600, s6, $0x10   }
0xf9: {  	[spmem:s4@s24], [sflag:s21] =	dma.strided [hbm:s2@s20], $0x600, s6, $0x10   }
0xfa: {  	[spmem:s25@s24], [sflag:s21] =	dma.strided [hbm:s19@s20], $0x600, s6, $0x10   }
.Ltmp0:
0xfb: {  	s29 =	sadd.s32 s18, s16;
	s30 =	sshrl.u32 s22, $0x3;
	(pc) =	sbr.rel @p0 .LBB2_2-.Ltmp0, $4  }
0xfc: {  	[spmem:s26@s24], [sflag:s21] =	dma.strided [hbm:s29@s20], $0x600, s6, $0x10   }
0xfd: {  	s31 =	sshll.u32 s22, $0x7;
	s12 =	sor.u32 s12, s17;
	s15 =	smul.u32 $0x18000, s30;
	(v2sf) =	vpush v0, $0x6  }
0xfe: {  	s31 =	sand.u32 $0x380, s31;
	s12 =	sshrl.u32 s12, $0x3;
	_ =	swait.ge [sflag:s6], $0x1800  }
0xff: {  	s13 =	sor.u32 s31, s15;
	[sflag:s6] =	ssyncset.done $0x0;
	s14 =	spop (v2sf)  }
0x100: {  	(v2sf) =	vpush v0, $0x7  }
0x101: {  	s0 =	spop (v2sf);
	s17 =	rddreg [dreg:$0xc]  }
0x102: {  	[sflag:s6] =	ssyncadd.s32 $0xFFFFE800;
	s19 =	rddreg [dreg:$0xe];
	s1 =	simm.s32 $0x4  }
0x103: {  	s21 =	simm.s32 $0x40;
	s20 =	simm.s32 $0x80;
	s15 =	simm.s32 $0x2  }
0x104: {  	[hbm:s10@s20], [sflag:s17] =	dma.strided [spmem:s19@s21], $0x1800, s1, $0x10   }
0x105: {  	s2 =	sadd.s32 $0x3040, s8;
	_ =	swait.ge [sflag:s15], $0x1800  }
0x106: {  	s16 =	simm.s32 $0x3;
	[sflag:s15] =	ssyncset.done $0x0;
	s22 =	rddreg [dreg:$0xd]  }
0x107: {  	s7 =	spop (v2sf);
	s23 =	rddreg [dreg:$0xf];
	[sflag:s15] =	ssyncadd.s32 $0xFFFFE800  }
0x108: {  	[hbm:s2@s20], [sflag:s22] =	dma.strided [spmem:s23@s21], $0x1800, s1, $0x10   }
0x109: {  	s24 =	sshrl.u32 s14, $0x3;
	_ =	swait.ge [sflag:s16], $0x1800  }
0x10a: {  	s26 =	sshll.u32 s14, $0x7;
	s28 =	sshrl.u32 s13, $0x3;
	[sflag:s16] =	ssyncset.done $0x0  }
0x10b: {  	s8 =	smul.u32 $0x18000, s24;
	s10 =	sand.u32 $0x380, s26;
	s18 =	rddreg [dreg:$0x1]  }
0x10c: {  	s25 =	rddreg [dreg:$0x10];
	[sflag:s16] =	ssyncadd.s32 $0xFFFFE800;
	s11 =	sadd.s32 s18, s11  }
0x10d: {  	[spmem:s19@s21], [sflag:s25] =	dma.strided [hbm:s11@s20], $0x600, s6, $0x10   }
0x10e: {  	s30 =	sshrl.u32 s0, $0x3;
	s8 =	sor.u32 s10, s8;
	s2 =	spop (v2sf)  }
0x10f: {  	s12 =	sadd.s32 s18, s12;
	s3 =	rddreg [dreg:$0x6];
	s9 =	spop (v2sf)  }
0x110: {  	[spmem:s3@s21], [sflag:s25] =	dma.strided [hbm:s12@s20], $0x600, s6, $0x10   }
0x111: {  	s8 =	sshrl.u32 s8, $0x3;
	s29 =	sadd.s32 s18, s28;
	s4 =	rddreg [dreg:$0x7]  }
0x112: {  	[spmem:s4@s21], [sflag:s25] =	dma.strided [hbm:s29@s20], $0x600, s6, $0x10   }
0x113: {  	s0 =	sshll.u32 s0, $0x7;
	s8 =	sadd.s32 s18, s8;
	s5 =	rddreg [dreg:$0x8]  }
0x114: {  	[spmem:s5@s21], [sflag:s25] =	dma.strided [hbm:s8@s20], $0x600, s6, $0x10   }
0x115: {  	s31 =	sshrl.u32 s7, $0x3;
	s7 =	sshll.u32 s7, $0x7;
	s8 =	smul.u32 $0x18000, s30  }
0x116: {  	s0 =	sand.u32 $0x380, s0;
	s7 =	sand.u32 $0x380, s7;
	s11 =	sshrl.u32 s2, $0x3  }
0x117: {  	s2 =	sshll.u32 s2, $0x7;
	_ =	swait.ge [sflag:s1], $0x1800;
	s0 =	sor.u32 s0, s8  }
0x118: {  	s8 =	smul.u32 $0x18000, s31;
	[sflag:s1] =	ssyncset.done $0x0;
	s0 =	sshrl.u32 s0, $0x3  }
0x119: {  	s10 =	rddreg [dreg:$0x11];
	[sflag:s1] =	ssyncadd.s32 $0xFFFFE800;
	s0 =	sadd.s32 s18, s0  }
0x11a: {  	[spmem:s23@s21], [sflag:s10] =	dma.strided [hbm:s0@s20], $0x600, s6, $0x10   }
0x11b: {  	s12 =	sshrl.u32 s9, $0x3;
	s0 =	sor.u32 s7, s8;
	s7 =	smul.u32 $0x18000, s11  }
0x11c: {  	s2 =	sand.u32 $0x380, s2;
	s9 =	sshll.u32 s9, $0x7;
	s8 =	smul.u32 $0x18000, s12  }
0x11d: {  	s9 =	sand.u32 $0x380, s9;
	s0 =	sshrl.u32 s0, $0x3;
	s2 =	sor.u32 s2, s7  }
0x11e: {  	s13 =	sor.u32 s9, s8;
	s0 =	sadd.s32 s18, s0;
	s9 =	rddreg [dreg:$0x9]  }
0x11f: {  	[spmem:s9@s21], [sflag:s10] =	dma.strided [hbm:s0@s20], $0x600, s6, $0x10   }
0x120: {  	s14 =	sshrl.u32 s2, $0x3  }
0x121: {  	s24 =	sshrl.u32 s13, $0x3;
	s0 =	sadd.s32 s18, s14;
	s7 =	rddreg [dreg:$0xa]  }
0x122: {  	[spmem:s7@s21], [sflag:s10] =	dma.strided [hbm:s0@s20], $0x600, s6, $0x10   }
0x123: {  	s2 =	sadd.s32 s18, s24;
	s8 =	rddreg [dreg:$0xb]  }
0x124: {  	[spmem:s8@s21], [sflag:s10] =	dma.strided [hbm:s2@s20], $0x600, s6, $0x10   }
0x125: {  	v63 =	vld [tilespmem:$0x780];
	_ =	swait.ge [sflag:s6], $0x1800  }
0x126: {  	[sflag:s6] =	ssyncset.done $0x0  }
0x127: {  	s26 =	rddreg [dreg:$0x19];
	[sflag:s6] =	ssyncadd.s32 $0xFFFFE800  }
0x128: {  	[hbm:s26@s20], [sflag:s17] =	dma.strided [spmem:s19@s21], $0x1800, s1, $0x10   }
0x129: {  	_ =	swait.ge [sflag:s15], $0x1800  }
0x12a: {  	[sflag:s15] =	ssyncset.done $0x0  }
0x12b: {  	s28 =	rddreg [dreg:$0x1a];
	[sflag:s15] =	ssyncadd.s32 $0xFFFFE800  }
0x12c: {  	[hbm:s28@s20], [sflag:s22] =	dma.strided [spmem:s23@s21], $0x1800, s1, $0x10   }
0x12d: {  	_ =	swait.ge [sflag:s16], $0x1800  }
0x12e: {  	(v2sf) =	vpush v63, $0x8;
	_ =	sdelay $0xe  }
0x12f: {  	s29 =	spop (v2sf)  }
0x130: {  	s30 =	sshrl.u32 s29, $0x3  }
0x131: {  	s0 =	sshll.u32 s29, $0x7;
	s2 =	smul.u32 $0x18000, s30  }
0x132: {  	s0 =	sand.u32 $0x380, s0  }
0x133: {  	s0 =	sor.u32 s0, s2  }
0x134: {  	[sflag:s16] =	ssyncset.done $0x0;
	s0 =	sshrl.u32 s0, $0x3  }
0x135: {  	[sflag:s16] =	ssyncadd.s32 $0xFFFFE800;
	s0 =	sadd.s32 s18, s0  }
0x136: {  	[spmem:s19@s21], [sflag:s25] =	dma.strided [hbm:s0@s20], $0x600, s6, $0x10   }
0x137: {  	(v2sf) =	vpush v63, $0x9;
	_ =	sdelay $0xe  }
0x138: {  	s0 =	spop (v2sf)  }
0x139: {  	s31 =	sshrl.u32 s0, $0x3  }
0x13a: {  	s0 =	sshll.u32 s0, $0x7;
	s2 =	smul.u32 $0x18000, s31  }
0x13b: {  	s0 =	sand.u32 $0x380, s0  }
0x13c: {  	s0 =	sor.u32 s0, s2  }
0x13d: {  	s0 =	sshrl.u32 s0, $0x3  }
0x13e: {  	s0 =	sadd.s32 s18, s0  }
0x13f: {  	[spmem:s3@s21], [sflag:s25] =	dma.strided [hbm:s0@s20], $0x600, s6, $0x10   }
0x140: {  	(v2sf) =	vpush v63, $0xA;
	_ =	sdelay $0xe  }
0x141: {  	s0 =	spop (v2sf)  }
0x142: {  	s11 =	sshrl.u32 s0, $0x3  }
0x143: {  	s0 =	sshll.u32 s0, $0x7;
	s2 =	smul.u32 $0x18000, s11  }
0x144: {  	s0 =	sand.u32 $0x380, s0  }
0x145: {  	s0 =	sor.u32 s0, s2  }
0x146: {  	s0 =	sshrl.u32 s0, $0x3  }
0x147: {  	s0 =	sadd.s32 s18, s0  }
0x148: {  	[spmem:s4@s21], [sflag:s25] =	dma.strided [hbm:s0@s20], $0x600, s6, $0x10   }
0x149: {  	(v2sf) =	vpush v63, $0xB;
	_ =	sdelay $0xe  }
0x14a: {  	s0 =	spop (v2sf)  }
0x14b: {  	s12 =	sshrl.u32 s0, $0x3  }
0x14c: {  	s0 =	sshll.u32 s0, $0x7;
	s2 =	smul.u32 $0x18000, s12  }
0x14d: {  	s0 =	sand.u32 $0x380, s0  }
0x14e: {  	s0 =	sor.u32 s0, s2  }
0x14f: {  	s0 =	sshrl.u32 s0, $0x3  }
0x150: {  	s0 =	sadd.s32 s18, s0  }
0x151: {  	[spmem:s5@s21], [sflag:s25] =	dma.strided [hbm:s0@s20], $0x600, s6, $0x10   }
0x152: {  	_ =	swait.ge [sflag:s1], $0x1800  }
0x153: {  	(v2sf) =	vpush v63, $0xC;
	_ =	sdelay $0xe  }
0x154: {  	s13 =	spop (v2sf)  }
0x155: {  	s14 =	sshrl.u32 s13, $0x3  }
0x156: {  	s0 =	sshll.u32 s13, $0x7;
	s2 =	smul.u32 $0x18000, s14  }
0x157: {  	s0 =	sand.u32 $0x380, s0  }
0x158: {  	s0 =	sor.u32 s0, s2  }
0x159: {  	[sflag:s1] =	ssyncset.done $0x0;
	s0 =	sshrl.u32 s0, $0x3  }
0x15a: {  	[sflag:s1] =	ssyncadd.s32 $0xFFFFE800;
	s0 =	sadd.s32 s18, s0  }
0x15b: {  	[spmem:s23@s21], [sflag:s10] =	dma.strided [hbm:s0@s20], $0x600, s6, $0x10   }
0x15c: {  	(v2sf) =	vpush v63, $0xD;
	_ =	sdelay $0xe  }
0x15d: {  	s0 =	spop (v2sf)  }
0x15e: {  	s24 =	sshrl.u32 s0, $0x3  }
0x15f: {  	s0 =	sshll.u32 s0, $0x7;
	s2 =	smul.u32 $0x18000, s24  }
0x160: {  	s0 =	sand.u32 $0x380, s0  }
0x161: {  	s0 =	sor.u32 s0, s2  }
0x162: {  	s0 =	sshrl.u32 s0, $0x3  }
0x163: {  	s0 =	sadd.s32 s18, s0  }
0x164: {  	[spmem:s9@s21], [sflag:s10] =	dma.strided [hbm:s0@s20], $0x600, s6, $0x10   }
0x165: {  	(v2sf) =	vpush v63, $0xE;
	_ =	sdelay $0xe  }
0x166: {  	s0 =	spop (v2sf)  }
0x167: {  	s25 =	sshrl.u32 s0, $0x3  }
0x168: {  	s0 =	sshll.u32 s0, $0x7;
	s2 =	smul.u32 $0x18000, s25  }
0x169: {  	s0 =	sand.u32 $0x380, s0  }
0x16a: {  	s0 =	sor.u32 s0, s2  }
0x16b: {  	s0 =	sshrl.u32 s0, $0x3  }
0x16c: {  	s0 =	sadd.s32 s18, s0  }
0x16d: {  	[spmem:s7@s21], [sflag:s10] =	dma.strided [hbm:s0@s20], $0x600, s6, $0x10   }
0x16e: {  	(v2sf) =	vpush v63, $0xF;
	_ =	sdelay $0xe  }
0x16f: {  	s0 =	spop (v2sf)  }
0x170: {  	s26 =	sshrl.u32 s0, $0x3  }
0x171: {  	s0 =	sshll.u32 s0, $0x7;
	s2 =	smul.u32 $0x18000, s26  }
0x172: {  	s0 =	sand.u32 $0x380, s0  }
0x173: {  	s0 =	sor.u32 s0, s2  }
0x174: {  	s0 =	sshrl.u32 s0, $0x3  }
0x175: {  	s0 =	sadd.s32 s18, s0  }
0x176: {  	[spmem:s8@s21], [sflag:s10] =	dma.strided [hbm:s0@s20], $0x600, s6, $0x10   }
0x177: {  	_ =	swait.ge [sflag:s6], $0x1800  }
0x178: {  	[sflag:s6] =	ssyncset.done $0x0  }
0x179: {  	s28 =	rddreg [dreg:$0x1b];
	[sflag:s6] =	ssyncadd.s32 $0xFFFFE800  }
0x17a: {  	[hbm:s28@s20], [sflag:s17] =	dma.strided [spmem:s19@s21], $0x1800, s1, $0x10   }
0x17b: {  	_ =	swait.ge [sflag:s15], $0x1800  }
0x17c: {  	[sflag:s15] =	ssyncset.done $0x0  }
0x17d: {  	s29 =	rddreg [dreg:$0x1c];
	[sflag:s15] =	ssyncadd.s32 $0xFFFFE800  }
0x17e: {  	[hbm:s29@s20], [sflag:s22] =	dma.strided [spmem:s23@s21], $0x1800, s1, $0x10   }
0x17f: {  	_ =	swait.ge [sflag:s16], $0x1800  }
0x180: {  	[sflag:s16] =	ssyncset.done $0x0  }
0x181: {  	[sflag:s16] =	ssyncadd.s32 $0xFFFFE800  }
0x182: {  	_ =	swait.ge [sflag:s1], $0x1800  }
0x183: {  	s30 =	rddreg [dreg:$0x1f]  }
0x184: {  	s31 =	rddreg [dreg:$0x1d];
	s2 =	sadd.s32 $0x1, s30  }
0x185: {  	p0 =	sne.s32 s2, s31  }
.Ltmp1:
0x186: {  	_ = 	snop;
	(pc) =	sbr.rel @p0 .LBB2_1-.Ltmp1, $3  }
0x187: {  	_ =	sdelay $0x1  }
0x188: {  	[sflag:s1] =	ssyncset.done $0x0  }
0x189: {  	[sflag:s1] =	ssyncadd.s32 $0xFFFFE800  }
0x18a: {  	_ =	sfence.sel $0x180000  }
0x18b: {  	[bflag:$0x0] =	sbarrier.arrive $0xFFFF  }
0x18c: {  	_ =	strace $0x90000047  }
0x18d: {  	s0 =	stileid.u32;
	[bflag:$0x2] =	sbarrier.arrive $0xFFFF  }
0x18e: {  	p0 =	sne.s32 s0, $0x0;
	s0 =	rddreg [dreg:$0x4]  }
0x18f: {  	s0 =	sadd.s32 @!p0 $0x100000, s0  }
0x190: {  	[sflag:s0] =	ssyncadd.tile.s32 @!p0 $0x1;
	_ =	shalt  }
.Lfunc_end2:
_tile_overlayer_lowered:
.L_overlay_start_2:
0x191: {  	(tag) =	ssettag $0x2  }
0x192: {  	s0 =	rddreg [dreg:$0x0];
	s2 =	stileid.u32  }
0x193: {  	s1 =	rddreg [dreg:$0x1];
	p0 =	sne.s32 s2, $0x0  }
0x194: {  	s3 =	rddreg [dreg:$0x2];
	[bflag:$0x3] =	sbarrier.arrive $0xFFFF;
	s2 =	simm.s32 @!p0 $0x1C05  }
0x195: {  	[timem:s3], [sflag:s2] =	dma.local @!p0 [hbm:s0], s1  }
0x196: {  	s0 =	simm.s32 @!p0 $0x5  }
0x197: {  	_ =	swait.ge @!p0 [sflag:s0], s1  }
0x198: {  	s1 =	ssub.s32 @!p0 $0x0, s1;
	[sflag:s0] =	ssyncset.done @!p0 $0x0  }
0x199: {  	[sflag:s0] =	ssyncadd.s32 @!p0 s1  }
0x19a: {  	[bflag:$0x3] =	sbarrier.arrive $0xFFFF  }
0x19b: {  	_ =	shalt  }

</sc_bundles>
